<compile_context>
chip_gen: v7x
topology: tpu7x:2x2x1
jax: 0.10.2.dev20260603
libtpu: 0.0.44.dev20260713+nightly
codegen_flags: <defaults>
</compile_context>

<pallas_src>
import functools

import jax
import jax.numpy as jnp
from jax import lax
from jax.experimental import pallas as pl
from jax.experimental.pallas import tpu as pltpu
from jax.experimental.pallas import tpu_sc as plsc

N_USERS = 1000000
N_ITEMS = 100000
F = 128
B = 16384

NC = 2
NS = 16
NW = NC * NS
PW = B // NW
CH = 64
NCH = PW // CH
L = 16
GPC = CH // L
JV = F // L
AP = L * (L + 1)

_mesh = plsc.VectorSubcoreMesh(core_axis_name="c", subcore_axis_name="s")


@functools.partial(
    pl.kernel,
    out_type=jax.ShapeDtypeStruct((B,), jnp.float32),
    mesh=_mesh,
    compiler_params=pltpu.CompilerParams(needs_layout_passes=False),
    scratch_types=[
        pltpu.VMEM((PW,), jnp.int32),
        pltpu.VMEM((PW,), jnp.int32),
        pltpu.VMEM((3 * CH, F), jnp.float32),
        pltpu.VMEM((3 * CH, F), jnp.float32),
        pltpu.VMEM((2 * AP,), jnp.float32),
        pltpu.VMEM((PW,), jnp.float32),
        pltpu.SemaphoreType.DMA,
        pltpu.SemaphoreType.DMA,
        pltpu.SemaphoreType.DMA,
        pltpu.SemaphoreType.DMA,
        pltpu.SemaphoreType.DMA,
        pltpu.SemaphoreType.DMA,
    ],
)
def _mf_kernel(user_hbm, item_hbm, uf_hbm, if_hbm, out_hbm,
               ui_v, ii_v, ubb, vbb, accb, outb,
               su0, su1, su2, sv0, sv1, sv2):
    wid = lax.axis_index("s") * NC + lax.axis_index("c")
    base = wid * PW

    pltpu.sync_copy(user_hbm.at[pl.ds(base, PW)], ui_v)
    pltpu.sync_copy(item_hbm.at[pl.ds(base, PW)], ii_v)

    sems = ((su0, sv0), (su1, sv1), (su2, sv2))

    def fire(c):
        p = c % 3
        su, sv = sems[p]
        hu = pltpu.async_copy(uf_hbm.at[ui_v.at[pl.ds(c * CH, CH)]],
                              ubb.at[pl.ds(p * CH, CH)], su)
        hv = pltpu.async_copy(if_hbm.at[ii_v.at[pl.ds(c * CH, CH)]],
                              vbb.at[pl.ds(p * CH, CH)], sv)
        return hu, hv

    lane = lax.iota(jnp.int32, L)

    handles = [None] * NCH
    handles[0] = fire(0)
    handles[1] = fire(1)

    def loop_body(t, _):
        for c in range(NCH):
            @pl.when(t == c * GPC)
            def _():
                hu, hv = handles[c]
                hu.wait()
                hv.wait()
                if c + 2 < NCH:
                    handles[c + 2] = fire(c + 2)

        phase = lax.rem(lax.div(t, GPC), 3)
        gbase = phase * CH + lax.rem(t, GPC) * L
        abase = lax.rem(t, 2) * AP

        RI = 4

        def row_body(r, _):
            rows = [gbase + r + k for k in range(RI)]
            accs = [ubb[rr, pl.ds(0, L)] * vbb[rr, pl.ds(0, L)]
                    for rr in rows]
            for j in range(1, JV):
                for k, rr in enumerate(rows):
                    accs[k] = accs[k] + (ubb[rr, pl.ds(j * L, L)]
                                         * vbb[rr, pl.ds(j * L, L)])
            for k in range(RI):
                accb[pl.ds(abase + (r + k) * (L + 1), L)] = accs[k]
            return 0

        lax.fori_loop(0, L // RI, lambda i, _: row_body(i * RI, _), 0,
                      unroll=True)

        rowoff = lane * (L + 1) + abase
        g0 = plsc.load_gather(accb, [rowoff])
        g1 = plsc.load_gather(accb, [rowoff + 1])
        for l in range(2, L, 2):
            g0 = g0 + plsc.load_gather(accb, [rowoff + l])
            g1 = g1 + plsc.load_gather(accb, [rowoff + l + 1])
        outb[pl.ds(t * L, L)] = g0 + g1
        return 0

    lax.fori_loop(0, NCH * GPC, loop_body, 0)

    pltpu.sync_copy(outb, out_hbm.at[pl.ds(base, PW)])


def kernel(user, item, user_factors, item_factors):
    return _mf_kernel(user.astype(jnp.int32), item.astype(jnp.int32),
                      user_factors, item_factors)

# --- scband reference (transcript-rebuilt; emitter-appended) ---
"""Pipeline reference for scband-matrix-factorization-17841294148310 (READ-ONLY COPY).

The authoritative reference and input builder live on the scoring server;
editing this copy changes nothing except your own understanding.
"""

import jax, jax.numpy as jnp
import numpy as np

N_USERS = 1000000
N_ITEMS = 100000
N_FACTORS = 128
BATCH = 16384

def setup_inputs(seed: int = 0) -> dict:
    key = jax.random.key(seed)
    k1, k2, k3, k4 = jax.random.split(key, 4)
    user = jax.random.randint(k1, (BATCH,), 0, N_USERS, dtype=jnp.int64 if jax.config.jax_enable_x64 else jnp.int32)
    item = jax.random.randint(k2, (BATCH,), 0, N_ITEMS, dtype=jnp.int64 if jax.config.jax_enable_x64 else jnp.int32)
    user_factors = jax.random.normal(k3, (N_USERS, N_FACTORS), dtype=jnp.float32)
    item_factors = jax.random.normal(k4, (N_ITEMS, N_FACTORS), dtype=jnp.float32)
    return {"user": user, "item": item, "user_factors": user_factors, "item_factors": item_factors}

def reference(user, item, user_factors, item_factors):
    # Faithful translation of MatrixFactorization.forward:
    # (self.user_factors(user) * self.item_factors(item)).sum(1)
    u = jnp.take(user_factors, user, axis=0)  # embedding lookup [B, F]
    v = jnp.take(item_factors, item, axis=0)  # embedding lookup [B, F]
    return (u * v).sum(axis=1)  # [B]

if __name__ == "__main__":
    import jax
    _d = setup_inputs()
    print(jax.jit(kernel)(*tuple(_d.values())))

</pallas_src>

<mosaic_0001>
#map = affine_map<(d0, d1) -> (0)>
#map1 = affine_map<(d0, d1) -> (0, 0)>
module attributes {stable_mosaic.version = 14 : i64} {
  func.func @_mf_kernel(%arg0: i32, %arg1: i32, %arg2: memref<16384xi32, #tpu.memory_space<hbm>>, %arg3: memref<16384xi32, #tpu.memory_space<hbm>>, %arg4: memref<1000000x128xf32, #tpu.memory_space<hbm>>, %arg5: memref<100000x128xf32, #tpu.memory_space<hbm>>, %arg6: memref<16384xf32, #tpu.memory_space<hbm>>, %arg7: memref<512xi32, #tpu.memory_space<vmem>>, %arg8: memref<512xi32, #tpu.memory_space<vmem>>, %arg9: memref<192x128xf32, #tpu.memory_space<vmem>>, %arg10: memref<192x128xf32, #tpu.memory_space<vmem>>, %arg11: memref<544xf32, #tpu.memory_space<vmem>>, %arg12: memref<512xf32, #tpu.memory_space<vmem>>, %arg13: memref<!tpu.dma_semaphore, #tpu.memory_space<semaphore_mem>>, %arg14: memref<!tpu.dma_semaphore, #tpu.memory_space<semaphore_mem>>, %arg15: memref<!tpu.dma_semaphore, #tpu.memory_space<semaphore_mem>>, %arg16: memref<!tpu.dma_semaphore, #tpu.memory_space<semaphore_mem>>, %arg17: memref<!tpu.dma_semaphore, #tpu.memory_space<semaphore_mem>>, %arg18: memref<!tpu.dma_semaphore, #tpu.memory_space<semaphore_mem>>) attributes {dimension_semantics = [#tpu.dimension_semantics<core_parallel>, #tpu.dimension_semantics<subcore_parallel>], iteration_bounds = array<i64: 2, 16>, scalar_prefetch = 0 : i64, scratch_operands = 12 : i64, tpu.core_type = #tpu.core_type<sc_vector_subcore>, window_params = [{transform_indices = #map}, {transform_indices = #map}, {transform_indices = #map1}, {transform_indices = #map1}, {transform_indices = #map}]} {
    %mul3A = arith.constant 2 : i32
    %mul3A_0 = arith.muli %arg1, %mul3A : i32
    %add3A = arith.addi %mul3A_0, %arg0 : i32
    %mul3A_1 = arith.constant 512 : i32
    %mul3A_2 = arith.muli %add3A, %mul3A_1 : i32
    "tpu.region"() ({
      %run_scoped3A = tpu.sem_alloc : memref<!tpu.dma_semaphore, #tpu.memory_space<semaphore_mem>>
      %dma_start3A_40 = tpu.memref_slice %arg2[%mul3A_2] : memref<16384xi32, #tpu.memory_space<hbm>> -> memref<512xi32, #tpu.memory_space<hbm>>
      %dma_start3A_41 = tpu.memref_slice %arg2[%mul3A_2] : memref<16384xi32, #tpu.memory_space<hbm>> -> memref<512xi32, #tpu.memory_space<hbm>>
      tpu.enqueue_dma source(%dma_start3A_41 : memref<512xi32, #tpu.memory_space<hbm>>) target(%arg7 : memref<512xi32, #tpu.memory_space<vmem>>) target_semaphore(%run_scoped3A : memref<!tpu.dma_semaphore, #tpu.memory_space<semaphore_mem>>)
      %dma_wait3A = tpu.memref_slice %arg2[%mul3A_2] : memref<16384xi32, #tpu.memory_space<hbm>> -> memref<512xi32, #tpu.memory_space<hbm>>
      %dma_wait3A_42 = tpu.memref_slice %arg2[%mul3A_2] : memref<16384xi32, #tpu.memory_space<hbm>> -> memref<512xi32, #tpu.memory_space<hbm>>
      tpu.wait_dma2 semaphore(%run_scoped3A : memref<!tpu.dma_semaphore, #tpu.memory_space<semaphore_mem>>) src(%dma_wait3A_42 : memref<512xi32, #tpu.memory_space<hbm>>) dst(%arg7 : memref<512xi32, #tpu.memory_space<vmem>>)
      tpu.yield
    }) : () -> ()
    "tpu.region"() ({
      %run_scoped3A = tpu.sem_alloc : memref<!tpu.dma_semaphore, #tpu.memory_space<semaphore_mem>>
      %dma_start3A_40 = tpu.memref_slice %arg3[%mul3A_2] : memref<16384xi32, #tpu.memory_space<hbm>> -> memref<512xi32, #tpu.memory_space<hbm>>
      %dma_start3A_41 = tpu.memref_slice %arg3[%mul3A_2] : memref<16384xi32, #tpu.memory_space<hbm>> -> memref<512xi32, #tpu.memory_space<hbm>>
      tpu.enqueue_dma source(%dma_start3A_41 : memref<512xi32, #tpu.memory_space<hbm>>) target(%arg8 : memref<512xi32, #tpu.memory_space<vmem>>) target_semaphore(%run_scoped3A : memref<!tpu.dma_semaphore, #tpu.memory_space<semaphore_mem>>)
      %dma_wait3A = tpu.memref_slice %arg3[%mul3A_2] : memref<16384xi32, #tpu.memory_space<hbm>> -> memref<512xi32, #tpu.memory_space<hbm>>
      %dma_wait3A_42 = tpu.memref_slice %arg3[%mul3A_2] : memref<16384xi32, #tpu.memory_space<hbm>> -> memref<512xi32, #tpu.memory_space<hbm>>
      tpu.wait_dma2 semaphore(%run_scoped3A : memref<!tpu.dma_semaphore, #tpu.memory_space<semaphore_mem>>) src(%dma_wait3A_42 : memref<512xi32, #tpu.memory_space<hbm>>) dst(%arg8 : memref<512xi32, #tpu.memory_space<vmem>>)
      tpu.yield
    }) : () -> ()
    %iota3A = tpu.iota {dimensions = array<i32: 0>} : vector<16xi32>
    %dma_start3A = arith.constant 0 : i32
    %dma_start3A_3 = arith.constant 0 : i32
    %dma_start3A_4 = tpu.memref_slice %arg9[%dma_start3A, %dma_start3A_3] : memref<192x128xf32, #tpu.memory_space<vmem>> -> memref<64x128xf32, #tpu.memory_space<vmem>>
    %dma_start3A_5 = arith.constant 0 : i32
    %dma_start3A_6 = tpu.memref_slice %arg7[%dma_start3A_5] : memref<512xi32, #tpu.memory_space<vmem>> -> memref<64xi32, #tpu.memory_space<vmem>>
    %dma_start3A_7 = arith.constant 0 : i32
    %dma_start3A_8 = arith.constant 0 : i32
    %dma_start3A_9 = tpu.memref_slice %arg4[%dma_start3A_7, %dma_start3A_8] : memref<1000000x128xf32, #tpu.memory_space<hbm>> -> memref<1000000x128xf32, #tpu.memory_space<hbm>>
    tpu.enqueue_indirect_dma source(%dma_start3A_9 : memref<1000000x128xf32, #tpu.memory_space<hbm>>) target(%dma_start3A_4 : memref<64x128xf32, #tpu.memory_space<vmem>>) offsets(%dma_start3A_6 : memref<64xi32, #tpu.memory_space<vmem>>) semaphore(%arg13 : memref<!tpu.dma_semaphore, #tpu.memory_space<semaphore_mem>>)
    %dma_start3A_10 = arith.constant 0 : i32
    %dma_start3A_11 = arith.constant 0 : i32
    %dma_start3A_12 = tpu.memref_slice %arg10[%dma_start3A_10, %dma_start3A_11] : memref<192x128xf32, #tpu.memory_space<vmem>> -> memref<64x128xf32, #tpu.memory_space<vmem>>
    %dma_start3A_13 = arith.constant 0 : i32
    %dma_start3A_14 = tpu.memref_slice %arg8[%dma_start3A_13] : memref<512xi32, #tpu.memory_space<vmem>> -> memref<64xi32, #tpu.memory_space<vmem>>
    %dma_start3A_15 = arith.constant 0 : i32
    %dma_start3A_16 = arith.constant 0 : i32
    %dma_start3A_17 = tpu.memref_slice %arg5[%dma_start3A_15, %dma_start3A_16] : memref<100000x128xf32, #tpu.memory_space<hbm>> -> memref<100000x128xf32, #tpu.memory_space<hbm>>
    tpu.enqueue_indirect_dma source(%dma_start3A_17 : memref<100000x128xf32, #tpu.memory_space<hbm>>) target(%dma_start3A_12 : memref<64x128xf32, #tpu.memory_space<vmem>>) offsets(%dma_start3A_14 : memref<64xi32, #tpu.memory_space<vmem>>) semaphore(%arg16 : memref<!tpu.dma_semaphore, #tpu.memory_space<semaphore_mem>>)
    %dma_start3A_18 = arith.constant 64 : i32
    %dma_start3A_19 = arith.constant 0 : i32
    %dma_start3A_20 = tpu.memref_slice %arg9[%dma_start3A_18, %dma_start3A_19] : memref<192x128xf32, #tpu.memory_space<vmem>> -> memref<64x128xf32, #tpu.memory_space<vmem>>
    %dma_start3A_21 = arith.constant 64 : i32
    %dma_start3A_22 = tpu.memref_slice %arg7[%dma_start3A_21] : memref<512xi32, #tpu.memory_space<vmem>> -> memref<64xi32, #tpu.memory_space<vmem>>
    %dma_start3A_23 = arith.constant 0 : i32
    %dma_start3A_24 = arith.constant 0 : i32
    %dma_start3A_25 = tpu.memref_slice %arg4[%dma_start3A_23, %dma_start3A_24] : memref<1000000x128xf32, #tpu.memory_space<hbm>> -> memref<1000000x128xf32, #tpu.memory_space<hbm>>
    tpu.enqueue_indirect_dma source(%dma_start3A_25 : memref<1000000x128xf32, #tpu.memory_space<hbm>>) target(%dma_start3A_20 : memref<64x128xf32, #tpu.memory_space<vmem>>) offsets(%dma_start3A_22 : memref<64xi32, #tpu.memory_space<vmem>>) semaphore(%arg14 : memref<!tpu.dma_semaphore, #tpu.memory_space<semaphore_mem>>)
    %dma_start3A_26 = arith.constant 64 : i32
    %dma_start3A_27 = arith.constant 0 : i32
    %dma_start3A_28 = tpu.memref_slice %arg10[%dma_start3A_26, %dma_start3A_27] : memref<192x128xf32, #tpu.memory_space<vmem>> -> memref<64x128xf32, #tpu.memory_space<vmem>>
    %dma_start3A_29 = arith.constant 64 : i32
    %dma_start3A_30 = tpu.memref_slice %arg8[%dma_start3A_29] : memref<512xi32, #tpu.memory_space<vmem>> -> memref<64xi32, #tpu.memory_space<vmem>>
    %dma_start3A_31 = arith.constant 0 : i32
    %dma_start3A_32 = arith.constant 0 : i32
    %dma_start3A_33 = tpu.memref_slice %arg5[%dma_start3A_31, %dma_start3A_32] : memref<100000x128xf32, #tpu.memory_space<hbm>> -> memref<100000x128xf32, #tpu.memory_space<hbm>>
    tpu.enqueue_indirect_dma source(%dma_start3A_33 : memref<100000x128xf32, #tpu.memory_space<hbm>>) target(%dma_start3A_28 : memref<64x128xf32, #tpu.memory_space<vmem>>) offsets(%dma_start3A_30 : memref<64xi32, #tpu.memory_space<vmem>>) semaphore(%arg17 : memref<!tpu.dma_semaphore, #tpu.memory_space<semaphore_mem>>)
    %scan3A = arith.constant 0 : i32
    %scan3A_34 = arith.constant 0 : i32
    %scan3A_35 = arith.constant 32 : i32
    %scan3A_36 = arith.addi %scan3A_34, %scan3A_35 : i32
    %scan3A_37 = arith.constant 1 : i32
    %scan3A_38 = scf.for %scan3A_40 = %scan3A_34 to %scan3A_36 step %scan3A_37 iter_args(%scan3A_41 = %scan3A) -> (i32)  : i32 {
      %eq3A = arith.constant 0 : i32
      %eq3A_42 = arith.cmpi eq, %scan3A_40, %eq3A : i32
      %convert_element_type3A = arith.extui %eq3A_42 : i1 to i32
      %cond3A = arith.constant 0 : i32
      %cond3A_43 = arith.cmpi ne, %convert_element_type3A, %cond3A : i32
      scf.if %cond3A_43 {
        %dma_wait3A = arith.constant 0 : i32
        %dma_wait3A_1382 = arith.constant 0 : i32
        %dma_wait3A_1383 = tpu.memref_slice %arg9[%dma_wait3A, %dma_wait3A_1382] : memref<192x128xf32, #tpu.memory_space<vmem>> -> memref<64x128xf32, #tpu.memory_space<vmem>>
        %dma_wait3A_1384 = arith.constant 0 : i32
        %dma_wait3A_1385 = tpu.memref_slice %arg7[%dma_wait3A_1384] : memref<512xi32, #tpu.memory_space<vmem>> -> memref<64xi32, #tpu.memory_space<vmem>>
        %dma_wait3A_1386 = arith.constant 0 : i32
        %dma_wait3A_1387 = arith.constant 0 : i32
        %dma_wait3A_1388 = tpu.memref_slice %arg4[%dma_wait3A_1386, %dma_wait3A_1387] : memref<1000000x128xf32, #tpu.memory_space<hbm>> -> memref<1000000x128xf32, #tpu.memory_space<hbm>>
        tpu.wait_indirect_dma semaphore(%arg13 : memref<!tpu.dma_semaphore, #tpu.memory_space<semaphore_mem>>) src(%dma_wait3A_1388 : memref<1000000x128xf32, #tpu.memory_space<hbm>>) dst(%dma_wait3A_1383 : memref<64x128xf32, #tpu.memory_space<vmem>>)
        %dma_wait3A_1389 = arith.constant 0 : i32
        %dma_wait3A_1390 = arith.constant 0 : i32
        %dma_wait3A_1391 = tpu.memref_slice %arg10[%dma_wait3A_1389, %dma_wait3A_1390] : memref<192x128xf32, #tpu.memory_space<vmem>> -> memref<64x128xf32, #tpu.memory_space<vmem>>
        %dma_wait3A_1392 = arith.constant 0 : i32
        %dma_wait3A_1393 = tpu.memref_slice %arg8[%dma_wait3A_1392] : memref<512xi32, #tpu.memory_space<vmem>> -> memref<64xi32, #tpu.memory_space<vmem>>
        %dma_wait3A_1394 = arith.constant 0 : i32
        %dma_wait3A_1395 = arith.constant 0 : i32
        %dma_wait3A_1396 = tpu.memref_slice %arg5[%dma_wait3A_1394, %dma_wait3A_1395] : memref<100000x128xf32, #tpu.memory_space<hbm>> -> memref<100000x128xf32, #tpu.memory_space<hbm>>
        tpu.wait_indirect_dma semaphore(%arg16 : memref<!tpu.dma_semaphore, #tpu.memory_space<semaphore_mem>>) src(%dma_wait3A_1396 : memref<100000x128xf32, #tpu.memory_space<hbm>>) dst(%dma_wait3A_1391 : memref<64x128xf32, #tpu.memory_space<vmem>>)
        %dma_start3A_1397 = arith.constant 128 : i32
        %dma_start3A_1398 = arith.constant 0 : i32
        %dma_start3A_1399 = tpu.memref_slice %arg9[%dma_start3A_1397, %dma_start3A_1398] : memref<192x128xf32, #tpu.memory_space<vmem>> -> memref<64x128xf32, #tpu.memory_space<vmem>>
        %dma_start3A_1400 = arith.constant 128 : i32
        %dma_start3A_1401 = tpu.memref_slice %arg7[%dma_start3A_1400] : memref<512xi32, #tpu.memory_space<vmem>> -> memref<64xi32, #tpu.memory_space<vmem>>
        %dma_start3A_1402 = arith.constant 0 : i32
        %dma_start3A_1403 = arith.constant 0 : i32
        %dma_start3A_1404 = tpu.memref_slice %arg4[%dma_start3A_1402, %dma_start3A_1403] : memref<1000000x128xf32, #tpu.memory_space<hbm>> -> memref<1000000x128xf32, #tpu.memory_space<hbm>>
        tpu.enqueue_indirect_dma source(%dma_start3A_1404 : memref<1000000x128xf32, #tpu.memory_space<hbm>>) target(%dma_start3A_1399 : memref<64x128xf32, #tpu.memory_space<vmem>>) offsets(%dma_start3A_1401 : memref<64xi32, #tpu.memory_space<vmem>>) semaphore(%arg15 : memref<!tpu.dma_semaphore, #tpu.memory_space<semaphore_mem>>)
        %dma_start3A_1405 = arith.constant 128 : i32
        %dma_start3A_1406 = arith.constant 0 : i32
        %dma_start3A_1407 = tpu.memref_slice %arg10[%dma_start3A_1405, %dma_start3A_1406] : memref<192x128xf32, #tpu.memory_space<vmem>> -> memref<64x128xf32, #tpu.memory_space<vmem>>
        %dma_start3A_1408 = arith.constant 128 : i32
        %dma_start3A_1409 = tpu.memref_slice %arg8[%dma_start3A_1408] : memref<512xi32, #tpu.memory_space<vmem>> -> memref<64xi32, #tpu.memory_space<vmem>>
        %dma_start3A_1410 = arith.constant 0 : i32
        %dma_start3A_1411 = arith.constant 0 : i32
        %dma_start3A_1412 = tpu.memref_slice %arg5[%dma_start3A_1410, %dma_start3A_1411] : memref<100000x128xf32, #tpu.memory_space<hbm>> -> memref<100000x128xf32, #tpu.memory_space<hbm>>
        tpu.enqueue_indirect_dma source(%dma_start3A_1412 : memref<100000x128xf32, #tpu.memory_space<hbm>>) target(%dma_start3A_1407 : memref<64x128xf32, #tpu.memory_space<vmem>>) offsets(%dma_start3A_1409 : memref<64xi32, #tpu.memory_space<vmem>>) semaphore(%arg18 : memref<!tpu.dma_semaphore, #tpu.memory_space<semaphore_mem>>)
      } else {
      }
      %eq3A_44 = arith.constant 4 : i32
      %eq3A_45 = arith.cmpi eq, %scan3A_40, %eq3A_44 : i32
      %convert_element_type3A_46 = arith.extui %eq3A_45 : i1 to i32
      %cond3A_47 = arith.constant 0 : i32
      %cond3A_48 = arith.cmpi ne, %convert_element_type3A_46, %cond3A_47 : i32
      scf.if %cond3A_48 {
        %dma_wait3A = arith.constant 64 : i32
        %dma_wait3A_1382 = arith.constant 0 : i32
        %dma_wait3A_1383 = tpu.memref_slice %arg9[%dma_wait3A, %dma_wait3A_1382] : memref<192x128xf32, #tpu.memory_space<vmem>> -> memref<64x128xf32, #tpu.memory_space<vmem>>
        %dma_wait3A_1384 = arith.constant 64 : i32
        %dma_wait3A_1385 = tpu.memref_slice %arg7[%dma_wait3A_1384] : memref<512xi32, #tpu.memory_space<vmem>> -> memref<64xi32, #tpu.memory_space<vmem>>
        %dma_wait3A_1386 = arith.constant 0 : i32
        %dma_wait3A_1387 = arith.constant 0 : i32
        %dma_wait3A_1388 = tpu.memref_slice %arg4[%dma_wait3A_1386, %dma_wait3A_1387] : memref<1000000x128xf32, #tpu.memory_space<hbm>> -> memref<1000000x128xf32, #tpu.memory_space<hbm>>
        tpu.wait_indirect_dma semaphore(%arg14 : memref<!tpu.dma_semaphore, #tpu.memory_space<semaphore_mem>>) src(%dma_wait3A_1388 : memref<1000000x128xf32, #tpu.memory_space<hbm>>) dst(%dma_wait3A_1383 : memref<64x128xf32, #tpu.memory_space<vmem>>)
        %dma_wait3A_1389 = arith.constant 64 : i32
        %dma_wait3A_1390 = arith.constant 0 : i32
        %dma_wait3A_1391 = tpu.memref_slice %arg10[%dma_wait3A_1389, %dma_wait3A_1390] : memref<192x128xf32, #tpu.memory_space<vmem>> -> memref<64x128xf32, #tpu.memory_space<vmem>>
        %dma_wait3A_1392 = arith.constant 64 : i32
        %dma_wait3A_1393 = tpu.memref_slice %arg8[%dma_wait3A_1392] : memref<512xi32, #tpu.memory_space<vmem>> -> memref<64xi32, #tpu.memory_space<vmem>>
        %dma_wait3A_1394 = arith.constant 0 : i32
        %dma_wait3A_1395 = arith.constant 0 : i32
        %dma_wait3A_1396 = tpu.memref_slice %arg5[%dma_wait3A_1394, %dma_wait3A_1395] : memref<100000x128xf32, #tpu.memory_space<hbm>> -> memref<100000x128xf32, #tpu.memory_space<hbm>>
        tpu.wait_indirect_dma semaphore(%arg17 : memref<!tpu.dma_semaphore, #tpu.memory_space<semaphore_mem>>) src(%dma_wait3A_1396 : memref<100000x128xf32, #tpu.memory_space<hbm>>) dst(%dma_wait3A_1391 : memref<64x128xf32, #tpu.memory_space<vmem>>)
        %dma_start3A_1397 = arith.constant 0 : i32
        %dma_start3A_1398 = arith.constant 0 : i32
        %dma_start3A_1399 = tpu.memref_slice %arg9[%dma_start3A_1397, %dma_start3A_1398] : memref<192x128xf32, #tpu.memory_space<vmem>> -> memref<64x128xf32, #tpu.memory_space<vmem>>
        %dma_start3A_1400 = arith.constant 192 : i32
        %dma_start3A_1401 = tpu.memref_slice %arg7[%dma_start3A_1400] : memref<512xi32, #tpu.memory_space<vmem>> -> memref<64xi32, #tpu.memory_space<vmem>>
        %dma_start3A_1402 = arith.constant 0 : i32
        %dma_start3A_1403 = arith.constant 0 : i32
        %dma_start3A_1404 = tpu.memref_slice %arg4[%dma_start3A_1402, %dma_start3A_1403] : memref<1000000x128xf32, #tpu.memory_space<hbm>> -> memref<1000000x128xf32, #tpu.memory_space<hbm>>
        tpu.enqueue_indirect_dma source(%dma_start3A_1404 : memref<1000000x128xf32, #tpu.memory_space<hbm>>) target(%dma_start3A_1399 : memref<64x128xf32, #tpu.memory_space<vmem>>) offsets(%dma_start3A_1401 : memref<64xi32, #tpu.memory_space<vmem>>) semaphore(%arg13 : memref<!tpu.dma_semaphore, #tpu.memory_space<semaphore_mem>>)
        %dma_start3A_1405 = arith.constant 0 : i32
        %dma_start3A_1406 = arith.constant 0 : i32
        %dma_start3A_1407 = tpu.memref_slice %arg10[%dma_start3A_1405, %dma_start3A_1406] : memref<192x128xf32, #tpu.memory_space<vmem>> -> memref<64x128xf32, #tpu.memory_space<vmem>>
        %dma_start3A_1408 = arith.constant 192 : i32
        %dma_start3A_1409 = tpu.memref_slice %arg8[%dma_start3A_1408] : memref<512xi32, #tpu.memory_space<vmem>> -> memref<64xi32, #tpu.memory_space<vmem>>
        %dma_start3A_1410 = arith.constant 0 : i32
        %dma_start3A_1411 = arith.constant 0 : i32
        %dma_start3A_1412 = tpu.memref_slice %arg5[%dma_start3A_1410, %dma_start3A_1411] : memref<100000x128xf32, #tpu.memory_space<hbm>> -> memref<100000x128xf32, #tpu.memory_space<hbm>>
        tpu.enqueue_indirect_dma source(%dma_start3A_1412 : memref<100000x128xf32, #tpu.memory_space<hbm>>) target(%dma_start3A_1407 : memref<64x128xf32, #tpu.memory_space<vmem>>) offsets(%dma_start3A_1409 : memref<64xi32, #tpu.memory_space<vmem>>) semaphore(%arg16 : memref<!tpu.dma_semaphore, #tpu.memory_space<semaphore_mem>>)
      } else {
      }
      %eq3A_49 = arith.constant 8 : i32
      %eq3A_50 = arith.cmpi eq, %scan3A_40, %eq3A_49 : i32
      %convert_element_type3A_51 = arith.extui %eq3A_50 : i1 to i32
      %cond3A_52 = arith.constant 0 : i32
      %cond3A_53 = arith.cmpi ne, %convert_element_type3A_51, %cond3A_52 : i32
      scf.if %cond3A_53 {
        %dma_wait3A = arith.constant 128 : i32
        %dma_wait3A_1382 = arith.constant 0 : i32
        %dma_wait3A_1383 = tpu.memref_slice %arg9[%dma_wait3A, %dma_wait3A_1382] : memref<192x128xf32, #tpu.memory_space<vmem>> -> memref<64x128xf32, #tpu.memory_space<vmem>>
        %dma_wait3A_1384 = arith.constant 128 : i32
        %dma_wait3A_1385 = tpu.memref_slice %arg7[%dma_wait3A_1384] : memref<512xi32, #tpu.memory_space<vmem>> -> memref<64xi32, #tpu.memory_space<vmem>>
        %dma_wait3A_1386 = arith.constant 0 : i32
        %dma_wait3A_1387 = arith.constant 0 : i32
        %dma_wait3A_1388 = tpu.memref_slice %arg4[%dma_wait3A_1386, %dma_wait3A_1387] : memref<1000000x128xf32, #tpu.memory_space<hbm>> -> memref<1000000x128xf32, #tpu.memory_space<hbm>>
        tpu.wait_indirect_dma semaphore(%arg15 : memref<!tpu.dma_semaphore, #tpu.memory_space<semaphore_mem>>) src(%dma_wait3A_1388 : memref<1000000x128xf32, #tpu.memory_space<hbm>>) dst(%dma_wait3A_1383 : memref<64x128xf32, #tpu.memory_space<vmem>>)
        %dma_wait3A_1389 = arith.constant 128 : i32
        %dma_wait3A_1390 = arith.constant 0 : i32
        %dma_wait3A_1391 = tpu.memref_slice %arg10[%dma_wait3A_1389, %dma_wait3A_1390] : memref<192x128xf32, #tpu.memory_space<vmem>> -> memref<64x128xf32, #tpu.memory_space<vmem>>
        %dma_wait3A_1392 = arith.constant 128 : i32
        %dma_wait3A_1393 = tpu.memref_slice %arg8[%dma_wait3A_1392] : memref<512xi32, #tpu.memory_space<vmem>> -> memref<64xi32, #tpu.memory_space<vmem>>
        %dma_wait3A_1394 = arith.constant 0 : i32
        %dma_wait3A_1395 = arith.constant 0 : i32
        %dma_wait3A_1396 = tpu.memref_slice %arg5[%dma_wait3A_1394, %dma_wait3A_1395] : memref<100000x128xf32, #tpu.memory_space<hbm>> -> memref<100000x128xf32, #tpu.memory_space<hbm>>
        tpu.wait_indirect_dma semaphore(%arg18 : memref<!tpu.dma_semaphore, #tpu.memory_space<semaphore_mem>>) src(%dma_wait3A_1396 : memref<100000x128xf32, #tpu.memory_space<hbm>>) dst(%dma_wait3A_1391 : memref<64x128xf32, #tpu.memory_space<vmem>>)
        %dma_start3A_1397 = arith.constant 64 : i32
        %dma_start3A_1398 = arith.constant 0 : i32
        %dma_start3A_1399 = tpu.memref_slice %arg9[%dma_start3A_1397, %dma_start3A_1398] : memref<192x128xf32, #tpu.memory_space<vmem>> -> memref<64x128xf32, #tpu.memory_space<vmem>>
        %dma_start3A_1400 = arith.constant 256 : i32
        %dma_start3A_1401 = tpu.memref_slice %arg7[%dma_start3A_1400] : memref<512xi32, #tpu.memory_space<vmem>> -> memref<64xi32, #tpu.memory_space<vmem>>
        %dma_start3A_1402 = arith.constant 0 : i32
        %dma_start3A_1403 = arith.constant 0 : i32
        %dma_start3A_1404 = tpu.memref_slice %arg4[%dma_start3A_1402, %dma_start3A_1403] : memref<1000000x128xf32, #tpu.memory_space<hbm>> -> memref<1000000x128xf32, #tpu.memory_space<hbm>>
        tpu.enqueue_indirect_dma source(%dma_start3A_1404 : memref<1000000x128xf32, #tpu.memory_space<hbm>>) target(%dma_start3A_1399 : memref<64x128xf32, #tpu.memory_space<vmem>>) offsets(%dma_start3A_1401 : memref<64xi32, #tpu.memory_space<vmem>>) semaphore(%arg14 : memref<!tpu.dma_semaphore, #tpu.memory_space<semaphore_mem>>)
        %dma_start3A_1405 = arith.constant 64 : i32
        %dma_start3A_1406 = arith.constant 0 : i32
        %dma_start3A_1407 = tpu.memref_slice %arg10[%dma_start3A_1405, %dma_start3A_1406] : memref<192x128xf32, #tpu.memory_space<vmem>> -> memref<64x128xf32, #tpu.memory_space<vmem>>
        %dma_start3A_1408 = arith.constant 256 : i32
        %dma_start3A_1409 = tpu.memref_slice %arg8[%dma_start3A_1408] : memref<512xi32, #tpu.memory_space<vmem>> -> memref<64xi32, #tpu.memory_space<vmem>>
        %dma_start3A_1410 = arith.constant 0 : i32
        %dma_start3A_1411 = arith.constant 0 : i32
        %dma_start3A_1412 = tpu.memref_slice %arg5[%dma_start3A_1410, %dma_start3A_1411] : memref<100000x128xf32, #tpu.memory_space<hbm>> -> memref<100000x128xf32, #tpu.memory_space<hbm>>
        tpu.enqueue_indirect_dma source(%dma_start3A_1412 : memref<100000x128xf32, #tpu.memory_space<hbm>>) target(%dma_start3A_1407 : memref<64x128xf32, #tpu.memory_space<vmem>>) offsets(%dma_start3A_1409 : memref<64xi32, #tpu.memory_space<vmem>>) semaphore(%arg17 : memref<!tpu.dma_semaphore, #tpu.memory_space<semaphore_mem>>)
      } else {
      }
      %eq3A_54 = arith.constant 12 : i32
      %eq3A_55 = arith.cmpi eq, %scan3A_40, %eq3A_54 : i32
      %convert_element_type3A_56 = arith.extui %eq3A_55 : i1 to i32
      %cond3A_57 = arith.constant 0 : i32
      %cond3A_58 = arith.cmpi ne, %convert_element_type3A_56, %cond3A_57 : i32
      scf.if %cond3A_58 {
        %dma_wait3A = arith.constant 0 : i32
        %dma_wait3A_1382 = arith.constant 0 : i32
        %dma_wait3A_1383 = tpu.memref_slice %arg9[%dma_wait3A, %dma_wait3A_1382] : memref<192x128xf32, #tpu.memory_space<vmem>> -> memref<64x128xf32, #tpu.memory_space<vmem>>
        %dma_wait3A_1384 = arith.constant 192 : i32
        %dma_wait3A_1385 = tpu.memref_slice %arg7[%dma_wait3A_1384] : memref<512xi32, #tpu.memory_space<vmem>> -> memref<64xi32, #tpu.memory_space<vmem>>
        %dma_wait3A_1386 = arith.constant 0 : i32
        %dma_wait3A_1387 = arith.constant 0 : i32
        %dma_wait3A_1388 = tpu.memref_slice %arg4[%dma_wait3A_1386, %dma_wait3A_1387] : memref<1000000x128xf32, #tpu.memory_space<hbm>> -> memref<1000000x128xf32, #tpu.memory_space<hbm>>
        tpu.wait_indirect_dma semaphore(%arg13 : memref<!tpu.dma_semaphore, #tpu.memory_space<semaphore_mem>>) src(%dma_wait3A_1388 : memref<1000000x128xf32, #tpu.memory_space<hbm>>) dst(%dma_wait3A_1383 : memref<64x128xf32, #tpu.memory_space<vmem>>)
        %dma_wait3A_1389 = arith.constant 0 : i32
        %dma_wait3A_1390 = arith.constant 0 : i32
        %dma_wait3A_1391 = tpu.memref_slice %arg10[%dma_wait3A_1389, %dma_wait3A_1390] : memref<192x128xf32, #tpu.memory_space<vmem>> -> memref<64x128xf32, #tpu.memory_space<vmem>>
        %dma_wait3A_1392 = arith.constant 192 : i32
        %dma_wait3A_1393 = tpu.memref_slice %arg8[%dma_wait3A_1392] : memref<512xi32, #tpu.memory_space<vmem>> -> memref<64xi32, #tpu.memory_space<vmem>>
        %dma_wait3A_1394 = arith.constant 0 : i32
        %dma_wait3A_1395 = arith.constant 0 : i32
        %dma_wait3A_1396 = tpu.memref_slice %arg5[%dma_wait3A_1394, %dma_wait3A_1395] : memref<100000x128xf32, #tpu.memory_space<hbm>> -> memref<100000x128xf32, #tpu.memory_space<hbm>>
        tpu.wait_indirect_dma semaphore(%arg16 : memref<!tpu.dma_semaphore, #tpu.memory_space<semaphore_mem>>) src(%dma_wait3A_1396 : memref<100000x128xf32, #tpu.memory_space<hbm>>) dst(%dma_wait3A_1391 : memref<64x128xf32, #tpu.memory_space<vmem>>)
        %dma_start3A_1397 = arith.constant 128 : i32
        %dma_start3A_1398 = arith.constant 0 : i32
        %dma_start3A_1399 = tpu.memref_slice %arg9[%dma_start3A_1397, %dma_start3A_1398] : memref<192x128xf32, #tpu.memory_space<vmem>> -> memref<64x128xf32, #tpu.memory_space<vmem>>
        %dma_start3A_1400 = arith.constant 320 : i32
        %dma_start3A_1401 = tpu.memref_slice %arg7[%dma_start3A_1400] : memref<512xi32, #tpu.memory_space<vmem>> -> memref<64xi32, #tpu.memory_space<vmem>>
        %dma_start3A_1402 = arith.constant 0 : i32
        %dma_start3A_1403 = arith.constant 0 : i32
        %dma_start3A_1404 = tpu.memref_slice %arg4[%dma_start3A_1402, %dma_start3A_1403] : memref<1000000x128xf32, #tpu.memory_space<hbm>> -> memref<1000000x128xf32, #tpu.memory_space<hbm>>
        tpu.enqueue_indirect_dma source(%dma_start3A_1404 : memref<1000000x128xf32, #tpu.memory_space<hbm>>) target(%dma_start3A_1399 : memref<64x128xf32, #tpu.memory_space<vmem>>) offsets(%dma_start3A_1401 : memref<64xi32, #tpu.memory_space<vmem>>) semaphore(%arg15 : memref<!tpu.dma_semaphore, #tpu.memory_space<semaphore_mem>>)
        %dma_start3A_1405 = arith.constant 128 : i32
        %dma_start3A_1406 = arith.constant 0 : i32
        %dma_start3A_1407 = tpu.memref_slice %arg10[%dma_start3A_1405, %dma_start3A_1406] : memref<192x128xf32, #tpu.memory_space<vmem>> -> memref<64x128xf32, #tpu.memory_space<vmem>>
        %dma_start3A_1408 = arith.constant 320 : i32
        %dma_start3A_1409 = tpu.memref_slice %arg8[%dma_start3A_1408] : memref<512xi32, #tpu.memory_space<vmem>> -> memref<64xi32, #tpu.memory_space<vmem>>
        %dma_start3A_1410 = arith.constant 0 : i32
        %dma_start3A_1411 = arith.constant 0 : i32
        %dma_start3A_1412 = tpu.memref_slice %arg5[%dma_start3A_1410, %dma_start3A_1411] : memref<100000x128xf32, #tpu.memory_space<hbm>> -> memref<100000x128xf32, #tpu.memory_space<hbm>>
        tpu.enqueue_indirect_dma source(%dma_start3A_1412 : memref<100000x128xf32, #tpu.memory_space<hbm>>) target(%dma_start3A_1407 : memref<64x128xf32, #tpu.memory_space<vmem>>) offsets(%dma_start3A_1409 : memref<64xi32, #tpu.memory_space<vmem>>) semaphore(%arg18 : memref<!tpu.dma_semaphore, #tpu.memory_space<semaphore_mem>>)
      } else {
      }
      %eq3A_59 = arith.constant 16 : i32
      %eq3A_60 = arith.cmpi eq, %scan3A_40, %eq3A_59 : i32
      %convert_element_type3A_61 = arith.extui %eq3A_60 : i1 to i32
      %cond3A_62 = arith.constant 0 : i32
      %cond3A_63 = arith.cmpi ne, %convert_element_type3A_61, %cond3A_62 : i32
      scf.if %cond3A_63 {
        %dma_wait3A = arith.constant 64 : i32
        %dma_wait3A_1382 = arith.constant 0 : i32
        %dma_wait3A_1383 = tpu.memref_slice %arg9[%dma_wait3A, %dma_wait3A_1382] : memref<192x128xf32, #tpu.memory_space<vmem>> -> memref<64x128xf32, #tpu.memory_space<vmem>>
        %dma_wait3A_1384 = arith.constant 256 : i32
        %dma_wait3A_1385 = tpu.memref_slice %arg7[%dma_wait3A_1384] : memref<512xi32, #tpu.memory_space<vmem>> -> memref<64xi32, #tpu.memory_space<vmem>>
        %dma_wait3A_1386 = arith.constant 0 : i32
        %dma_wait3A_1387 = arith.constant 0 : i32
        %dma_wait3A_1388 = tpu.memref_slice %arg4[%dma_wait3A_1386, %dma_wait3A_1387] : memref<1000000x128xf32, #tpu.memory_space<hbm>> -> memref<1000000x128xf32, #tpu.memory_space<hbm>>
        tpu.wait_indirect_dma semaphore(%arg14 : memref<!tpu.dma_semaphore, #tpu.memory_space<semaphore_mem>>) src(%dma_wait3A_1388 : memref<1000000x128xf32, #tpu.memory_space<hbm>>) dst(%dma_wait3A_1383 : memref<64x128xf32, #tpu.memory_space<vmem>>)
        %dma_wait3A_1389 = arith.constant 64 : i32
        %dma_wait3A_1390 = arith.constant 0 : i32
        %dma_wait3A_1391 = tpu.memref_slice %arg10[%dma_wait3A_1389, %dma_wait3A_1390] : memref<192x128xf32, #tpu.memory_space<vmem>> -> memref<64x128xf32, #tpu.memory_space<vmem>>
        %dma_wait3A_1392 = arith.constant 256 : i32
        %dma_wait3A_1393 = tpu.memref_slice %arg8[%dma_wait3A_1392] : memref<512xi32, #tpu.memory_space<vmem>> -> memref<64xi32, #tpu.memory_space<vmem>>
        %dma_wait3A_1394 = arith.constant 0 : i32
        %dma_wait3A_1395 = arith.constant 0 : i32
        %dma_wait3A_1396 = tpu.memref_slice %arg5[%dma_wait3A_1394, %dma_wait3A_1395] : memref<100000x128xf32, #tpu.memory_space<hbm>> -> memref<100000x128xf32, #tpu.memory_space<hbm>>
        tpu.wait_indirect_dma semaphore(%arg17 : memref<!tpu.dma_semaphore, #tpu.memory_space<semaphore_mem>>) src(%dma_wait3A_1396 : memref<100000x128xf32, #tpu.memory_space<hbm>>) dst(%dma_wait3A_1391 : memref<64x128xf32, #tpu.memory_space<vmem>>)
        %dma_start3A_1397 = arith.constant 0 : i32
        %dma_start3A_1398 = arith.constant 0 : i32
        %dma_start3A_1399 = tpu.memref_slice %arg9[%dma_start3A_1397, %dma_start3A_1398] : memref<192x128xf32, #tpu.memory_space<vmem>> -> memref<64x128xf32, #tpu.memory_space<vmem>>
        %dma_start3A_1400 = arith.constant 384 : i32
        %dma_start3A_1401 = tpu.memref_slice %arg7[%dma_start3A_1400] : memref<512xi32, #tpu.memory_space<vmem>> -> memref<64xi32, #tpu.memory_space<vmem>>
        %dma_start3A_1402 = arith.constant 0 : i32
        %dma_start3A_1403 = arith.constant 0 : i32
        %dma_start3A_1404 = tpu.memref_slice %arg4[%dma_start3A_1402, %dma_start3A_1403] : memref<1000000x128xf32, #tpu.memory_space<hbm>> -> memref<1000000x128xf32, #tpu.memory_space<hbm>>
        tpu.enqueue_indirect_dma source(%dma_start3A_1404 : memref<1000000x128xf32, #tpu.memory_space<hbm>>) target(%dma_start3A_1399 : memref<64x128xf32, #tpu.memory_space<vmem>>) offsets(%dma_start3A_1401 : memref<64xi32, #tpu.memory_space<vmem>>) semaphore(%arg13 : memref<!tpu.dma_semaphore, #tpu.memory_space<semaphore_mem>>)
        %dma_start3A_1405 = arith.constant 0 : i32
        %dma_start3A_1406 = arith.constant 0 : i32
        %dma_start3A_1407 = tpu.memref_slice %arg10[%dma_start3A_1405, %dma_start3A_1406] : memref<192x128xf32, #tpu.memory_space<vmem>> -> memref<64x128xf32, #tpu.memory_space<vmem>>
        %dma_start3A_1408 = arith.constant 384 : i32
        %dma_start3A_1409 = tpu.memref_slice %arg8[%dma_start3A_1408] : memref<512xi32, #tpu.memory_space<vmem>> -> memref<64xi32, #tpu.memory_space<vmem>>
        %dma_start3A_1410 = arith.constant 0 : i32
        %dma_start3A_1411 = arith.constant 0 : i32
        %dma_start3A_1412 = tpu.memref_slice %arg5[%dma_start3A_1410, %dma_start3A_1411] : memref<100000x128xf32, #tpu.memory_space<hbm>> -> memref<100000x128xf32, #tpu.memory_space<hbm>>
        tpu.enqueue_indirect_dma source(%dma_start3A_1412 : memref<100000x128xf32, #tpu.memory_space<hbm>>) target(%dma_start3A_1407 : memref<64x128xf32, #tpu.memory_space<vmem>>) offsets(%dma_start3A_1409 : memref<64xi32, #tpu.memory_space<vmem>>) semaphore(%arg16 : memref<!tpu.dma_semaphore, #tpu.memory_space<semaphore_mem>>)
      } else {
      }
      %eq3A_64 = arith.constant 20 : i32
      %eq3A_65 = arith.cmpi eq, %scan3A_40, %eq3A_64 : i32
      %convert_element_type3A_66 = arith.extui %eq3A_65 : i1 to i32
      %cond3A_67 = arith.constant 0 : i32
      %cond3A_68 = arith.cmpi ne, %convert_element_type3A_66, %cond3A_67 : i32
      scf.if %cond3A_68 {
        %dma_wait3A = arith.constant 128 : i32
        %dma_wait3A_1382 = arith.constant 0 : i32
        %dma_wait3A_1383 = tpu.memref_slice %arg9[%dma_wait3A, %dma_wait3A_1382] : memref<192x128xf32, #tpu.memory_space<vmem>> -> memref<64x128xf32, #tpu.memory_space<vmem>>
        %dma_wait3A_1384 = arith.constant 320 : i32
        %dma_wait3A_1385 = tpu.memref_slice %arg7[%dma_wait3A_1384] : memref<512xi32, #tpu.memory_space<vmem>> -> memref<64xi32, #tpu.memory_space<vmem>>
        %dma_wait3A_1386 = arith.constant 0 : i32
        %dma_wait3A_1387 = arith.constant 0 : i32
        %dma_wait3A_1388 = tpu.memref_slice %arg4[%dma_wait3A_1386, %dma_wait3A_1387] : memref<1000000x128xf32, #tpu.memory_space<hbm>> -> memref<1000000x128xf32, #tpu.memory_space<hbm>>
        tpu.wait_indirect_dma semaphore(%arg15 : memref<!tpu.dma_semaphore, #tpu.memory_space<semaphore_mem>>) src(%dma_wait3A_1388 : memref<1000000x128xf32, #tpu.memory_space<hbm>>) dst(%dma_wait3A_1383 : memref<64x128xf32, #tpu.memory_space<vmem>>)
        %dma_wait3A_1389 = arith.constant 128 : i32
        %dma_wait3A_1390 = arith.constant 0 : i32
        %dma_wait3A_1391 = tpu.memref_slice %arg10[%dma_wait3A_1389, %dma_wait3A_1390] : memref<192x128xf32, #tpu.memory_space<vmem>> -> memref<64x128xf32, #tpu.memory_space<vmem>>
        %dma_wait3A_1392 = arith.constant 320 : i32
        %dma_wait3A_1393 = tpu.memref_slice %arg8[%dma_wait3A_1392] : memref<512xi32, #tpu.memory_space<vmem>> -> memref<64xi32, #tpu.memory_space<vmem>>
        %dma_wait3A_1394 = arith.constant 0 : i32
        %dma_wait3A_1395 = arith.constant 0 : i32
        %dma_wait3A_1396 = tpu.memref_slice %arg5[%dma_wait3A_1394, %dma_wait3A_1395] : memref<100000x128xf32, #tpu.memory_space<hbm>> -> memref<100000x128xf32, #tpu.memory_space<hbm>>
        tpu.wait_indirect_dma semaphore(%arg18 : memref<!tpu.dma_semaphore, #tpu.memory_space<semaphore_mem>>) src(%dma_wait3A_1396 : memref<100000x128xf32, #tpu.memory_space<hbm>>) dst(%dma_wait3A_1391 : memref<64x128xf32, #tpu.memory_space<vmem>>)
        %dma_start3A_1397 = arith.constant 64 : i32
        %dma_start3A_1398 = arith.constant 0 : i32
        %dma_start3A_1399 = tpu.memref_slice %arg9[%dma_start3A_1397, %dma_start3A_1398] : memref<192x128xf32, #tpu.memory_space<vmem>> -> memref<64x128xf32, #tpu.memory_space<vmem>>
        %dma_start3A_1400 = arith.constant 448 : i32
        %dma_start3A_1401 = tpu.memref_slice %arg7[%dma_start3A_1400] : memref<512xi32, #tpu.memory_space<vmem>> -> memref<64xi32, #tpu.memory_space<vmem>>
        %dma_start3A_1402 = arith.constant 0 : i32
        %dma_start3A_1403 = arith.constant 0 : i32
        %dma_start3A_1404 = tpu.memref_slice %arg4[%dma_start3A_1402, %dma_start3A_1403] : memref<1000000x128xf32, #tpu.memory_space<hbm>> -> memref<1000000x128xf32, #tpu.memory_space<hbm>>
        tpu.enqueue_indirect_dma source(%dma_start3A_1404 : memref<1000000x128xf32, #tpu.memory_space<hbm>>) target(%dma_start3A_1399 : memref<64x128xf32, #tpu.memory_space<vmem>>) offsets(%dma_start3A_1401 : memref<64xi32, #tpu.memory_space<vmem>>) semaphore(%arg14 : memref<!tpu.dma_semaphore, #tpu.memory_space<semaphore_mem>>)
        %dma_start3A_1405 = arith.constant 64 : i32
        %dma_start3A_1406 = arith.constant 0 : i32
        %dma_start3A_1407 = tpu.memref_slice %arg10[%dma_start3A_1405, %dma_start3A_1406] : memref<192x128xf32, #tpu.memory_space<vmem>> -> memref<64x128xf32, #tpu.memory_space<vmem>>
        %dma_start3A_1408 = arith.constant 448 : i32
        %dma_start3A_1409 = tpu.memref_slice %arg8[%dma_start3A_1408] : memref<512xi32, #tpu.memory_space<vmem>> -> memref<64xi32, #tpu.memory_space<vmem>>
        %dma_start3A_1410 = arith.constant 0 : i32
        %dma_start3A_1411 = arith.constant 0 : i32
        %dma_start3A_1412 = tpu.memref_slice %arg5[%dma_start3A_1410, %dma_start3A_1411] : memref<100000x128xf32, #tpu.memory_space<hbm>> -> memref<100000x128xf32, #tpu.memory_space<hbm>>
        tpu.enqueue_indirect_dma source(%dma_start3A_1412 : memref<100000x128xf32, #tpu.memory_space<hbm>>) target(%dma_start3A_1407 : memref<64x128xf32, #tpu.memory_space<vmem>>) offsets(%dma_start3A_1409 : memref<64xi32, #tpu.memory_space<vmem>>) semaphore(%arg17 : memref<!tpu.dma_semaphore, #tpu.memory_space<semaphore_mem>>)
      } else {
      }
      %eq3A_69 = arith.constant 24 : i32
      %eq3A_70 = arith.cmpi eq, %scan3A_40, %eq3A_69 : i32
      %convert_element_type3A_71 = arith.extui %eq3A_70 : i1 to i32
      %cond3A_72 = arith.constant 0 : i32
      %cond3A_73 = arith.cmpi ne, %convert_element_type3A_71, %cond3A_72 : i32
      scf.if %cond3A_73 {
        %dma_wait3A = arith.constant 0 : i32
        %dma_wait3A_1382 = arith.constant 0 : i32
        %dma_wait3A_1383 = tpu.memref_slice %arg9[%dma_wait3A, %dma_wait3A_1382] : memref<192x128xf32, #tpu.memory_space<vmem>> -> memref<64x128xf32, #tpu.memory_space<vmem>>
        %dma_wait3A_1384 = arith.constant 384 : i32
        %dma_wait3A_1385 = tpu.memref_slice %arg7[%dma_wait3A_1384] : memref<512xi32, #tpu.memory_space<vmem>> -> memref<64xi32, #tpu.memory_space<vmem>>
        %dma_wait3A_1386 = arith.constant 0 : i32
        %dma_wait3A_1387 = arith.constant 0 : i32
        %dma_wait3A_1388 = tpu.memref_slice %arg4[%dma_wait3A_1386, %dma_wait3A_1387] : memref<1000000x128xf32, #tpu.memory_space<hbm>> -> memref<1000000x128xf32, #tpu.memory_space<hbm>>
        tpu.wait_indirect_dma semaphore(%arg13 : memref<!tpu.dma_semaphore, #tpu.memory_space<semaphore_mem>>) src(%dma_wait3A_1388 : memref<1000000x128xf32, #tpu.memory_space<hbm>>) dst(%dma_wait3A_1383 : memref<64x128xf32, #tpu.memory_space<vmem>>)
        %dma_wait3A_1389 = arith.constant 0 : i32
        %dma_wait3A_1390 = arith.constant 0 : i32
        %dma_wait3A_1391 = tpu.memref_slice %arg10[%dma_wait3A_1389, %dma_wait3A_1390] : memref<192x128xf32, #tpu.memory_space<vmem>> -> memref<64x128xf32, #tpu.memory_space<vmem>>
        %dma_wait3A_1392 = arith.constant 384 : i32
        %dma_wait3A_1393 = tpu.memref_slice %arg8[%dma_wait3A_1392] : memref<512xi32, #tpu.memory_space<vmem>> -> memref<64xi32, #tpu.memory_space<vmem>>
        %dma_wait3A_1394 = arith.constant 0 : i32
        %dma_wait3A_1395 = arith.constant 0 : i32
        %dma_wait3A_1396 = tpu.memref_slice %arg5[%dma_wait3A_1394, %dma_wait3A_1395] : memref<100000x128xf32, #tpu.memory_space<hbm>> -> memref<100000x128xf32, #tpu.memory_space<hbm>>
        tpu.wait_indirect_dma semaphore(%arg16 : memref<!tpu.dma_semaphore, #tpu.memory_space<semaphore_mem>>) src(%dma_wait3A_1396 : memref<100000x128xf32, #tpu.memory_space<hbm>>) dst(%dma_wait3A_1391 : memref<64x128xf32, #tpu.memory_space<vmem>>)
      } else {
      }
      %eq3A_74 = arith.constant 28 : i32
      %eq3A_75 = arith.cmpi eq, %scan3A_40, %eq3A_74 : i32
      %convert_element_type3A_76 = arith.extui %eq3A_75 : i1 to i32
      %cond3A_77 = arith.constant 0 : i32
      %cond3A_78 = arith.cmpi ne, %convert_element_type3A_76, %cond3A_77 : i32
      scf.if %cond3A_78 {
        %dma_wait3A = arith.constant 64 : i32
        %dma_wait3A_1382 = arith.constant 0 : i32
        %dma_wait3A_1383 = tpu.memref_slice %arg9[%dma_wait3A, %dma_wait3A_1382] : memref<192x128xf32, #tpu.memory_space<vmem>> -> memref<64x128xf32, #tpu.memory_space<vmem>>
        %dma_wait3A_1384 = arith.constant 448 : i32
        %dma_wait3A_1385 = tpu.memref_slice %arg7[%dma_wait3A_1384] : memref<512xi32, #tpu.memory_space<vmem>> -> memref<64xi32, #tpu.memory_space<vmem>>
        %dma_wait3A_1386 = arith.constant 0 : i32
        %dma_wait3A_1387 = arith.constant 0 : i32
        %dma_wait3A_1388 = tpu.memref_slice %arg4[%dma_wait3A_1386, %dma_wait3A_1387] : memref<1000000x128xf32, #tpu.memory_space<hbm>> -> memref<1000000x128xf32, #tpu.memory_space<hbm>>
        tpu.wait_indirect_dma semaphore(%arg14 : memref<!tpu.dma_semaphore, #tpu.memory_space<semaphore_mem>>) src(%dma_wait3A_1388 : memref<1000000x128xf32, #tpu.memory_space<hbm>>) dst(%dma_wait3A_1383 : memref<64x128xf32, #tpu.memory_space<vmem>>)
        %dma_wait3A_1389 = arith.constant 64 : i32
        %dma_wait3A_1390 = arith.constant 0 : i32
        %dma_wait3A_1391 = tpu.memref_slice %arg10[%dma_wait3A_1389, %dma_wait3A_1390] : memref<192x128xf32, #tpu.memory_space<vmem>> -> memref<64x128xf32, #tpu.memory_space<vmem>>
        %dma_wait3A_1392 = arith.constant 448 : i32
        %dma_wait3A_1393 = tpu.memref_slice %arg8[%dma_wait3A_1392] : memref<512xi32, #tpu.memory_space<vmem>> -> memref<64xi32, #tpu.memory_space<vmem>>
        %dma_wait3A_1394 = arith.constant 0 : i32
        %dma_wait3A_1395 = arith.constant 0 : i32
        %dma_wait3A_1396 = tpu.memref_slice %arg5[%dma_wait3A_1394, %dma_wait3A_1395] : memref<100000x128xf32, #tpu.memory_space<hbm>> -> memref<100000x128xf32, #tpu.memory_space<hbm>>
        tpu.wait_indirect_dma semaphore(%arg17 : memref<!tpu.dma_semaphore, #tpu.memory_space<semaphore_mem>>) src(%dma_wait3A_1396 : memref<100000x128xf32, #tpu.memory_space<hbm>>) dst(%dma_wait3A_1391 : memref<64x128xf32, #tpu.memory_space<vmem>>)
      } else {
      }
      %div3A = arith.constant 4 : i32
      %div3A_79 = arith.divsi %scan3A_40, %div3A : i32
      %rem3A = arith.constant 3 : i32
      %rem3A_80 = arith.remsi %div3A_79, %rem3A : i32
      %mul3A_81 = arith.constant 64 : i32
      %mul3A_82 = arith.muli %rem3A_80, %mul3A_81 : i32
      %rem3A_83 = arith.constant 4 : i32
      %rem3A_84 = arith.remsi %scan3A_40, %rem3A_83 : i32
      %mul3A_85 = arith.constant 16 : i32
      %mul3A_86 = arith.muli %rem3A_84, %mul3A_85 : i32
      %add3A_87 = arith.addi %mul3A_82, %mul3A_86 : i32
      %rem3A_88 = arith.constant 2 : i32
      %rem3A_89 = arith.remsi %scan3A_40, %rem3A_88 : i32
      %mul3A_90 = arith.constant 272 : i32
      %mul3A_91 = arith.muli %rem3A_89, %mul3A_90 : i32
      %scan3A_92 = arith.constant 0 : i32
      %scan3A_93 = arith.constant 0 : i32
      %mul3A_94 = arith.constant 4 : i32
      %mul3A_95 = arith.muli %scan3A_93, %mul3A_94 : i32
      %add3A_96 = arith.addi %add3A_87, %mul3A_95 : i32
      %add3A_97 = arith.constant 0 : i32
      %add3A_98 = arith.addi %add3A_96, %add3A_97 : i32
      %add3A_99 = arith.addi %add3A_87, %mul3A_95 : i32
      %add3A_100 = arith.constant 1 : i32
      %add3A_101 = arith.addi %add3A_99, %add3A_100 : i32
      %add3A_102 = arith.addi %add3A_87, %mul3A_95 : i32
      %add3A_103 = arith.constant 2 : i32
      %add3A_104 = arith.addi %add3A_102, %add3A_103 : i32
      %add3A_105 = arith.addi %add3A_87, %mul3A_95 : i32
      %add3A_106 = arith.constant 3 : i32
      %add3A_107 = arith.addi %add3A_105, %add3A_106 : i32
      %get3A = arith.index_cast %add3A_98 : i32 to index
      %get3A_108 = arith.constant 0 : index
      %get3A_109 = tpu.vector_load %arg9[%get3A, %get3A_108] {strides = array<i32>} : memref<192x128xf32, #tpu.memory_space<vmem>>, vector<16xf32>,
      %get3A_110 = arith.index_cast %add3A_98 : i32 to index
      %get3A_111 = arith.constant 0 : index
      %get3A_112 = tpu.vector_load %arg10[%get3A_110, %get3A_111] {strides = array<i32>} : memref<192x128xf32, #tpu.memory_space<vmem>>, vector<16xf32>,
      %mul3A_113 = arith.mulf %get3A_109, %get3A_112 : vector<16xf32>
      %get3A_114 = arith.index_cast %add3A_101 : i32 to index
      %get3A_115 = arith.constant 0 : index
      %get3A_116 = tpu.vector_load %arg9[%get3A_114, %get3A_115] {strides = array<i32>} : memref<192x128xf32, #tpu.memory_space<vmem>>, vector<16xf32>,
      %get3A_117 = arith.index_cast %add3A_101 : i32 to index
      %get3A_118 = arith.constant 0 : index
      %get3A_119 = tpu.vector_load %arg10[%get3A_117, %get3A_118] {strides = array<i32>} : memref<192x128xf32, #tpu.memory_space<vmem>>, vector<16xf32>,
      %mul3A_120 = arith.mulf %get3A_116, %get3A_119 : vector<16xf32>
      %get3A_121 = arith.index_cast %add3A_104 : i32 to index
      %get3A_122 = arith.constant 0 : index
      %get3A_123 = tpu.vector_load %arg9[%get3A_121, %get3A_122] {strides = array<i32>} : memref<192x128xf32, #tpu.memory_space<vmem>>, vector<16xf32>,
      %get3A_124 = arith.index_cast %add3A_104 : i32 to index
      %get3A_125 = arith.constant 0 : index
      %get3A_126 = tpu.vector_load %arg10[%get3A_124, %get3A_125] {strides = array<i32>} : memref<192x128xf32, #tpu.memory_space<vmem>>, vector<16xf32>,
      %mul3A_127 = arith.mulf %get3A_123, %get3A_126 : vector<16xf32>
      %get3A_128 = arith.index_cast %add3A_107 : i32 to index
      %get3A_129 = arith.constant 0 : index
      %get3A_130 = tpu.vector_load %arg9[%get3A_128, %get3A_129] {strides = array<i32>} : memref<192x128xf32, #tpu.memory_space<vmem>>, vector<16xf32>,
      %get3A_131 = arith.index_cast %add3A_107 : i32 to index
      %get3A_132 = arith.constant 0 : index
      %get3A_133 = tpu.vector_load %arg10[%get3A_131, %get3A_132] {strides = array<i32>} : memref<192x128xf32, #tpu.memory_space<vmem>>, vector<16xf32>,
      %mul3A_134 = arith.mulf %get3A_130, %get3A_133 : vector<16xf32>
      %get3A_135 = arith.index_cast %add3A_98 : i32 to index
      %get3A_136 = arith.constant 16 : index
      %get3A_137 = tpu.vector_load %arg9[%get3A_135, %get3A_136] {strides = array<i32>} : memref<192x128xf32, #tpu.memory_space<vmem>>, vector<16xf32>,
      %get3A_138 = arith.index_cast %add3A_98 : i32 to index
      %get3A_139 = arith.constant 16 : index
      %get3A_140 = tpu.vector_load %arg10[%get3A_138, %get3A_139] {strides = array<i32>} : memref<192x128xf32, #tpu.memory_space<vmem>>, vector<16xf32>,
      %mul3A_141 = arith.mulf %get3A_137, %get3A_140 : vector<16xf32>
      %add3A_142 = arith.addf %mul3A_113, %mul3A_141 : vector<16xf32>
      %get3A_143 = arith.index_cast %add3A_101 : i32 to index
      %get3A_144 = arith.constant 16 : index
      %get3A_145 = tpu.vector_load %arg9[%get3A_143, %get3A_144] {strides = array<i32>} : memref<192x128xf32, #tpu.memory_space<vmem>>, vector<16xf32>,
      %get3A_146 = arith.index_cast %add3A_101 : i32 to index
      %get3A_147 = arith.constant 16 : index
      %get3A_148 = tpu.vector_load %arg10[%get3A_146, %get3A_147] {strides = array<i32>} : memref<192x128xf32, #tpu.memory_space<vmem>>, vector<16xf32>,
      %mul3A_149 = arith.mulf %get3A_145, %get3A_148 : vector<16xf32>
      %add3A_150 = arith.addf %mul3A_120, %mul3A_149 : vector<16xf32>
      %get3A_151 = arith.index_cast %add3A_104 : i32 to index
      %get3A_152 = arith.constant 16 : index
      %get3A_153 = tpu.vector_load %arg9[%get3A_151, %get3A_152] {strides = array<i32>} : memref<192x128xf32, #tpu.memory_space<vmem>>, vector<16xf32>,
      %get3A_154 = arith.index_cast %add3A_104 : i32 to index
      %get3A_155 = arith.constant 16 : index
      %get3A_156 = tpu.vector_load %arg10[%get3A_154, %get3A_155] {strides = array<i32>} : memref<192x128xf32, #tpu.memory_space<vmem>>, vector<16xf32>,
      %mul3A_157 = arith.mulf %get3A_153, %get3A_156 : vector<16xf32>
      %add3A_158 = arith.addf %mul3A_127, %mul3A_157 : vector<16xf32>
      %get3A_159 = arith.index_cast %add3A_107 : i32 to index
      %get3A_160 = arith.constant 16 : index
      %get3A_161 = tpu.vector_load %arg9[%get3A_159, %get3A_160] {strides = array<i32>} : memref<192x128xf32, #tpu.memory_space<vmem>>, vector<16xf32>,
      %get3A_162 = arith.index_cast %add3A_107 : i32 to index
      %get3A_163 = arith.constant 16 : index
      %get3A_164 = tpu.vector_load %arg10[%get3A_162, %get3A_163] {strides = array<i32>} : memref<192x128xf32, #tpu.memory_space<vmem>>, vector<16xf32>,
      %mul3A_165 = arith.mulf %get3A_161, %get3A_164 : vector<16xf32>
      %add3A_166 = arith.addf %mul3A_134, %mul3A_165 : vector<16xf32>
      %get3A_167 = arith.index_cast %add3A_98 : i32 to index
      %get3A_168 = arith.constant 32 : index
      %get3A_169 = tpu.vector_load %arg9[%get3A_167, %get3A_168] {strides = array<i32>} : memref<192x128xf32, #tpu.memory_space<vmem>>, vector<16xf32>,
      %get3A_170 = arith.index_cast %add3A_98 : i32 to index
      %get3A_171 = arith.constant 32 : index
      %get3A_172 = tpu.vector_load %arg10[%get3A_170, %get3A_171] {strides = array<i32>} : memref<192x128xf32, #tpu.memory_space<vmem>>, vector<16xf32>,
      %mul3A_173 = arith.mulf %get3A_169, %get3A_172 : vector<16xf32>
      %add3A_174 = arith.addf %add3A_142, %mul3A_173 : vector<16xf32>
      %get3A_175 = arith.index_cast %add3A_101 : i32 to index
      %get3A_176 = arith.constant 32 : index
      %get3A_177 = tpu.vector_load %arg9[%get3A_175, %get3A_176] {strides = array<i32>} : memref<192x128xf32, #tpu.memory_space<vmem>>, vector<16xf32>,
      %get3A_178 = arith.index_cast %add3A_101 : i32 to index
      %get3A_179 = arith.constant 32 : index
      %get3A_180 = tpu.vector_load %arg10[%get3A_178, %get3A_179] {strides = array<i32>} : memref<192x128xf32, #tpu.memory_space<vmem>>, vector<16xf32>,
      %mul3A_181 = arith.mulf %get3A_177, %get3A_180 : vector<16xf32>
      %add3A_182 = arith.addf %add3A_150, %mul3A_181 : vector<16xf32>
      %get3A_183 = arith.index_cast %add3A_104 : i32 to index
      %get3A_184 = arith.constant 32 : index
      %get3A_185 = tpu.vector_load %arg9[%get3A_183, %get3A_184] {strides = array<i32>} : memref<192x128xf32, #tpu.memory_space<vmem>>, vector<16xf32>,
      %get3A_186 = arith.index_cast %add3A_104 : i32 to index
      %get3A_187 = arith.constant 32 : index
      %get3A_188 = tpu.vector_load %arg10[%get3A_186, %get3A_187] {strides = array<i32>} : memref<192x128xf32, #tpu.memory_space<vmem>>, vector<16xf32>,
      %mul3A_189 = arith.mulf %get3A_185, %get3A_188 : vector<16xf32>
      %add3A_190 = arith.addf %add3A_158, %mul3A_189 : vector<16xf32>
      %get3A_191 = arith.index_cast %add3A_107 : i32 to index
      %get3A_192 = arith.constant 32 : index
      %get3A_193 = tpu.vector_load %arg9[%get3A_191, %get3A_192] {strides = array<i32>} : memref<192x128xf32, #tpu.memory_space<vmem>>, vector<16xf32>,
      %get3A_194 = arith.index_cast %add3A_107 : i32 to index
      %get3A_195 = arith.constant 32 : index
      %get3A_196 = tpu.vector_load %arg10[%get3A_194, %get3A_195] {strides = array<i32>} : memref<192x128xf32, #tpu.memory_space<vmem>>, vector<16xf32>,
      %mul3A_197 = arith.mulf %get3A_193, %get3A_196 : vector<16xf32>
      %add3A_198 = arith.addf %add3A_166, %mul3A_197 : vector<16xf32>
      %get3A_199 = arith.index_cast %add3A_98 : i32 to index
      %get3A_200 = arith.constant 48 : index
      %get3A_201 = tpu.vector_load %arg9[%get3A_199, %get3A_200] {strides = array<i32>} : memref<192x128xf32, #tpu.memory_space<vmem>>, vector<16xf32>,
      %get3A_202 = arith.index_cast %add3A_98 : i32 to index
      %get3A_203 = arith.constant 48 : index
      %get3A_204 = tpu.vector_load %arg10[%get3A_202, %get3A_203] {strides = array<i32>} : memref<192x128xf32, #tpu.memory_space<vmem>>, vector<16xf32>,
      %mul3A_205 = arith.mulf %get3A_201, %get3A_204 : vector<16xf32>
      %add3A_206 = arith.addf %add3A_174, %mul3A_205 : vector<16xf32>
      %get3A_207 = arith.index_cast %add3A_101 : i32 to index
      %get3A_208 = arith.constant 48 : index
      %get3A_209 = tpu.vector_load %arg9[%get3A_207, %get3A_208] {strides = array<i32>} : memref<192x128xf32, #tpu.memory_space<vmem>>, vector<16xf32>,
      %get3A_210 = arith.index_cast %add3A_101 : i32 to index
      %get3A_211 = arith.constant 48 : index
      %get3A_212 = tpu.vector_load %arg10[%get3A_210, %get3A_211] {strides = array<i32>} : memref<192x128xf32, #tpu.memory_space<vmem>>, vector<16xf32>,
      %mul3A_213 = arith.mulf %get3A_209, %get3A_212 : vector<16xf32>
      %add3A_214 = arith.addf %add3A_182, %mul3A_213 : vector<16xf32>
      %get3A_215 = arith.index_cast %add3A_104 : i32 to index
      %get3A_216 = arith.constant 48 : index
      %get3A_217 = tpu.vector_load %arg9[%get3A_215, %get3A_216] {strides = array<i32>} : memref<192x128xf32, #tpu.memory_space<vmem>>, vector<16xf32>,
      %get3A_218 = arith.index_cast %add3A_104 : i32 to index
      %get3A_219 = arith.constant 48 : index
      %get3A_220 = tpu.vector_load %arg10[%get3A_218, %get3A_219] {strides = array<i32>} : memref<192x128xf32, #tpu.memory_space<vmem>>, vector<16xf32>,
      %mul3A_221 = arith.mulf %get3A_217, %get3A_220 : vector<16xf32>
      %add3A_222 = arith.addf %add3A_190, %mul3A_221 : vector<16xf32>
      %get3A_223 = arith.index_cast %add3A_107 : i32 to index
      %get3A_224 = arith.constant 48 : index
      %get3A_225 = tpu.vector_load %arg9[%get3A_223, %get3A_224] {strides = array<i32>} : memref<192x128xf32, #tpu.memory_space<vmem>>, vector<16xf32>,
      %get3A_226 = arith.index_cast %add3A_107 : i32 to index
      %get3A_227 = arith.constant 48 : index
      %get3A_228 = tpu.vector_load %arg10[%get3A_226, %get3A_227] {strides = array<i32>} : memref<192x128xf32, #tpu.memory_space<vmem>>, vector<16xf32>,
      %mul3A_229 = arith.mulf %get3A_225, %get3A_228 : vector<16xf32>
      %add3A_230 = arith.addf %add3A_198, %mul3A_229 : vector<16xf32>
      %get3A_231 = arith.index_cast %add3A_98 : i32 to index
      %get3A_232 = arith.constant 64 : index
      %get3A_233 = tpu.vector_load %arg9[%get3A_231, %get3A_232] {strides = array<i32>} : memref<192x128xf32, #tpu.memory_space<vmem>>, vector<16xf32>,
      %get3A_234 = arith.index_cast %add3A_98 : i32 to index
      %get3A_235 = arith.constant 64 : index
      %get3A_236 = tpu.vector_load %arg10[%get3A_234, %get3A_235] {strides = array<i32>} : memref<192x128xf32, #tpu.memory_space<vmem>>, vector<16xf32>,
      %mul3A_237 = arith.mulf %get3A_233, %get3A_236 : vector<16xf32>
      %add3A_238 = arith.addf %add3A_206, %mul3A_237 : vector<16xf32>
      %get3A_239 = arith.index_cast %add3A_101 : i32 to index
      %get3A_240 = arith.constant 64 : index
      %get3A_241 = tpu.vector_load %arg9[%get3A_239, %get3A_240] {strides = array<i32>} : memref<192x128xf32, #tpu.memory_space<vmem>>, vector<16xf32>,
      %get3A_242 = arith.index_cast %add3A_101 : i32 to index
      %get3A_243 = arith.constant 64 : index
      %get3A_244 = tpu.vector_load %arg10[%get3A_242, %get3A_243] {strides = array<i32>} : memref<192x128xf32, #tpu.memory_space<vmem>>, vector<16xf32>,
      %mul3A_245 = arith.mulf %get3A_241, %get3A_244 : vector<16xf32>
      %add3A_246 = arith.addf %add3A_214, %mul3A_245 : vector<16xf32>
      %get3A_247 = arith.index_cast %add3A_104 : i32 to index
      %get3A_248 = arith.constant 64 : index
      %get3A_249 = tpu.vector_load %arg9[%get3A_247, %get3A_248] {strides = array<i32>} : memref<192x128xf32, #tpu.memory_space<vmem>>, vector<16xf32>,
      %get3A_250 = arith.index_cast %add3A_104 : i32 to index
      %get3A_251 = arith.constant 64 : index
      %get3A_252 = tpu.vector_load %arg10[%get3A_250, %get3A_251] {strides = array<i32>} : memref<192x128xf32, #tpu.memory_space<vmem>>, vector<16xf32>,
      %mul3A_253 = arith.mulf %get3A_249, %get3A_252 : vector<16xf32>
      %add3A_254 = arith.addf %add3A_222, %mul3A_253 : vector<16xf32>
      %get3A_255 = arith.index_cast %add3A_107 : i32 to index
      %get3A_256 = arith.constant 64 : index
      %get3A_257 = tpu.vector_load %arg9[%get3A_255, %get3A_256] {strides = array<i32>} : memref<192x128xf32, #tpu.memory_space<vmem>>, vector<16xf32>,
      %get3A_258 = arith.index_cast %add3A_107 : i32 to index
      %get3A_259 = arith.constant 64 : index
      %get3A_260 = tpu.vector_load %arg10[%get3A_258, %get3A_259] {strides = array<i32>} : memref<192x128xf32, #tpu.memory_space<vmem>>, vector<16xf32>,
      %mul3A_261 = arith.mulf %get3A_257, %get3A_260 : vector<16xf32>
      %add3A_262 = arith.addf %add3A_230, %mul3A_261 : vector<16xf32>
      %get3A_263 = arith.index_cast %add3A_98 : i32 to index
      %get3A_264 = arith.constant 80 : index
      %get3A_265 = tpu.vector_load %arg9[%get3A_263, %get3A_264] {strides = array<i32>} : memref<192x128xf32, #tpu.memory_space<vmem>>, vector<16xf32>,
      %get3A_266 = arith.index_cast %add3A_98 : i32 to index
      %get3A_267 = arith.constant 80 : index
      %get3A_268 = tpu.vector_load %arg10[%get3A_266, %get3A_267] {strides = array<i32>} : memref<192x128xf32, #tpu.memory_space<vmem>>, vector<16xf32>,
      %mul3A_269 = arith.mulf %get3A_265, %get3A_268 : vector<16xf32>
      %add3A_270 = arith.addf %add3A_238, %mul3A_269 : vector<16xf32>
      %get3A_271 = arith.index_cast %add3A_101 : i32 to index
      %get3A_272 = arith.constant 80 : index
      %get3A_273 = tpu.vector_load %arg9[%get3A_271, %get3A_272] {strides = array<i32>} : memref<192x128xf32, #tpu.memory_space<vmem>>, vector<16xf32>,
      %get3A_274 = arith.index_cast %add3A_101 : i32 to index
      %get3A_275 = arith.constant 80 : index
      %get3A_276 = tpu.vector_load %arg10[%get3A_274, %get3A_275] {strides = array<i32>} : memref<192x128xf32, #tpu.memory_space<vmem>>, vector<16xf32>,
      %mul3A_277 = arith.mulf %get3A_273, %get3A_276 : vector<16xf32>
      %add3A_278 = arith.addf %add3A_246, %mul3A_277 : vector<16xf32>
      %get3A_279 = arith.index_cast %add3A_104 : i32 to index
      %get3A_280 = arith.constant 80 : index
      %get3A_281 = tpu.vector_load %arg9[%get3A_279, %get3A_280] {strides = array<i32>} : memref<192x128xf32, #tpu.memory_space<vmem>>, vector<16xf32>,
      %get3A_282 = arith.index_cast %add3A_104 : i32 to index
      %get3A_283 = arith.constant 80 : index
      %get3A_284 = tpu.vector_load %arg10[%get3A_282, %get3A_283] {strides = array<i32>} : memref<192x128xf32, #tpu.memory_space<vmem>>, vector<16xf32>,
      %mul3A_285 = arith.mulf %get3A_281, %get3A_284 : vector<16xf32>
      %add3A_286 = arith.addf %add3A_254, %mul3A_285 : vector<16xf32>
      %get3A_287 = arith.index_cast %add3A_107 : i32 to index
      %get3A_288 = arith.constant 80 : index
      %get3A_289 = tpu.vector_load %arg9[%get3A_287, %get3A_288] {strides = array<i32>} : memref<192x128xf32, #tpu.memory_space<vmem>>, vector<16xf32>,
      %get3A_290 = arith.index_cast %add3A_107 : i32 to index
      %get3A_291 = arith.constant 80 : index
      %get3A_292 = tpu.vector_load %arg10[%get3A_290, %get3A_291] {strides = array<i32>} : memref<192x128xf32, #tpu.memory_space<vmem>>, vector<16xf32>,
      %mul3A_293 = arith.mulf %get3A_289, %get3A_292 : vector<16xf32>
      %add3A_294 = arith.addf %add3A_262, %mul3A_293 : vector<16xf32>
      %get3A_295 = arith.index_cast %add3A_98 : i32 to index
      %get3A_296 = arith.constant 96 : index
      %get3A_297 = tpu.vector_load %arg9[%get3A_295, %get3A_296] {strides = array<i32>} : memref<192x128xf32, #tpu.memory_space<vmem>>, vector<16xf32>,
      %get3A_298 = arith.index_cast %add3A_98 : i32 to index
      %get3A_299 = arith.constant 96 : index
      %get3A_300 = tpu.vector_load %arg10[%get3A_298, %get3A_299] {strides = array<i32>} : memref<192x128xf32, #tpu.memory_space<vmem>>, vector<16xf32>,
      %mul3A_301 = arith.mulf %get3A_297, %get3A_300 : vector<16xf32>
      %add3A_302 = arith.addf %add3A_270, %mul3A_301 : vector<16xf32>
      %get3A_303 = arith.index_cast %add3A_101 : i32 to index
      %get3A_304 = arith.constant 96 : index
      %get3A_305 = tpu.vector_load %arg9[%get3A_303, %get3A_304] {strides = array<i32>} : memref<192x128xf32, #tpu.memory_space<vmem>>, vector<16xf32>,
      %get3A_306 = arith.index_cast %add3A_101 : i32 to index
      %get3A_307 = arith.constant 96 : index
      %get3A_308 = tpu.vector_load %arg10[%get3A_306, %get3A_307] {strides = array<i32>} : memref<192x128xf32, #tpu.memory_space<vmem>>, vector<16xf32>,
      %mul3A_309 = arith.mulf %get3A_305, %get3A_308 : vector<16xf32>
      %add3A_310 = arith.addf %add3A_278, %mul3A_309 : vector<16xf32>
      %get3A_311 = arith.index_cast %add3A_104 : i32 to index
      %get3A_312 = arith.constant 96 : index
      %get3A_313 = tpu.vector_load %arg9[%get3A_311, %get3A_312] {strides = array<i32>} : memref<192x128xf32, #tpu.memory_space<vmem>>, vector<16xf32>,
      %get3A_314 = arith.index_cast %add3A_104 : i32 to index
      %get3A_315 = arith.constant 96 : index
      %get3A_316 = tpu.vector_load %arg10[%get3A_314, %get3A_315] {strides = array<i32>} : memref<192x128xf32, #tpu.memory_space<vmem>>, vector<16xf32>,
      %mul3A_317 = arith.mulf %get3A_313, %get3A_316 : vector<16xf32>
      %add3A_318 = arith.addf %add3A_286, %mul3A_317 : vector<16xf32>
      %get3A_319 = arith.index_cast %add3A_107 : i32 to index
      %get3A_320 = arith.constant 96 : index
      %get3A_321 = tpu.vector_load %arg9[%get3A_319, %get3A_320] {strides = array<i32>} : memref<192x128xf32, #tpu.memory_space<vmem>>, vector<16xf32>,
      %get3A_322 = arith.index_cast %add3A_107 : i32 to index
      %get3A_323 = arith.constant 96 : index
      %get3A_324 = tpu.vector_load %arg10[%get3A_322, %get3A_323] {strides = array<i32>} : memref<192x128xf32, #tpu.memory_space<vmem>>, vector<16xf32>,
      %mul3A_325 = arith.mulf %get3A_321, %get3A_324 : vector<16xf32>
      %add3A_326 = arith.addf %add3A_294, %mul3A_325 : vector<16xf32>
      %get3A_327 = arith.index_cast %add3A_98 : i32 to index
      %get3A_328 = arith.constant 112 : index
      %get3A_329 = tpu.vector_load %arg9[%get3A_327, %get3A_328] {strides = array<i32>} : memref<192x128xf32, #tpu.memory_space<vmem>>, vector<16xf32>,
      %get3A_330 = arith.index_cast %add3A_98 : i32 to index
      %get3A_331 = arith.constant 112 : index
      %get3A_332 = tpu.vector_load %arg10[%get3A_330, %get3A_331] {strides = array<i32>} : memref<192x128xf32, #tpu.memory_space<vmem>>, vector<16xf32>,
      %mul3A_333 = arith.mulf %get3A_329, %get3A_332 : vector<16xf32>
      %add3A_334 = arith.addf %add3A_302, %mul3A_333 : vector<16xf32>
      %get3A_335 = arith.index_cast %add3A_101 : i32 to index
      %get3A_336 = arith.constant 112 : index
      %get3A_337 = tpu.vector_load %arg9[%get3A_335, %get3A_336] {strides = array<i32>} : memref<192x128xf32, #tpu.memory_space<vmem>>, vector<16xf32>,
      %get3A_338 = arith.index_cast %add3A_101 : i32 to index
      %get3A_339 = arith.constant 112 : index
      %get3A_340 = tpu.vector_load %arg10[%get3A_338, %get3A_339] {strides = array<i32>} : memref<192x128xf32, #tpu.memory_space<vmem>>, vector<16xf32>,
      %mul3A_341 = arith.mulf %get3A_337, %get3A_340 : vector<16xf32>
      %add3A_342 = arith.addf %add3A_310, %mul3A_341 : vector<16xf32>
      %get3A_343 = arith.index_cast %add3A_104 : i32 to index
      %get3A_344 = arith.constant 112 : index
      %get3A_345 = tpu.vector_load %arg9[%get3A_343, %get3A_344] {strides = array<i32>} : memref<192x128xf32, #tpu.memory_space<vmem>>, vector<16xf32>,
      %get3A_346 = arith.index_cast %add3A_104 : i32 to index
      %get3A_347 = arith.constant 112 : index
      %get3A_348 = tpu.vector_load %arg10[%get3A_346, %get3A_347] {strides = array<i32>} : memref<192x128xf32, #tpu.memory_space<vmem>>, vector<16xf32>,
      %mul3A_349 = arith.mulf %get3A_345, %get3A_348 : vector<16xf32>
      %add3A_350 = arith.addf %add3A_318, %mul3A_349 : vector<16xf32>
      %get3A_351 = arith.index_cast %add3A_107 : i32 to index
      %get3A_352 = arith.constant 112 : index
      %get3A_353 = tpu.vector_load %arg9[%get3A_351, %get3A_352] {strides = array<i32>} : memref<192x128xf32, #tpu.memory_space<vmem>>, vector<16xf32>,
      %get3A_354 = arith.index_cast %add3A_107 : i32 to index
      %get3A_355 = arith.constant 112 : index
      %get3A_356 = tpu.vector_load %arg10[%get3A_354, %get3A_355] {strides = array<i32>} : memref<192x128xf32, #tpu.memory_space<vmem>>, vector<16xf32>,
      %mul3A_357 = arith.mulf %get3A_353, %get3A_356 : vector<16xf32>
      %add3A_358 = arith.addf %add3A_326, %mul3A_357 : vector<16xf32>
      %add3A_359 = arith.constant 0 : i32
      %add3A_360 = arith.addi %mul3A_95, %add3A_359 : i32
      %mul3A_361 = arith.constant 17 : i32
      %mul3A_362 = arith.muli %add3A_360, %mul3A_361 : i32
      %add3A_363 = arith.addi %mul3A_91, %mul3A_362 : i32
      %swap3A = arith.index_cast %add3A_363 : i32 to index
      %swap3A_364 = tpu.vector_load %arg11[%swap3A] {strides = array<i32>} : memref<544xf32, #tpu.memory_space<vmem>>, vector<16xf32>,
      tpu.vector_store %arg11[%swap3A], %add3A_334 {strides = array<i32>} : memref<544xf32, #tpu.memory_space<vmem>>, vector<16xf32>,
      %add3A_365 = arith.constant 1 : i32
      %add3A_366 = arith.addi %mul3A_95, %add3A_365 : i32
      %mul3A_367 = arith.constant 17 : i32
      %mul3A_368 = arith.muli %add3A_366, %mul3A_367 : i32
      %add3A_369 = arith.addi %mul3A_91, %mul3A_368 : i32
      %swap3A_370 = arith.index_cast %add3A_369 : i32 to index
      %swap3A_371 = tpu.vector_load %arg11[%swap3A_370] {strides = array<i32>} : memref<544xf32, #tpu.memory_space<vmem>>, vector<16xf32>,
      tpu.vector_store %arg11[%swap3A_370], %add3A_342 {strides = array<i32>} : memref<544xf32, #tpu.memory_space<vmem>>, vector<16xf32>,
      %add3A_372 = arith.constant 2 : i32
      %add3A_373 = arith.addi %mul3A_95, %add3A_372 : i32
      %mul3A_374 = arith.constant 17 : i32
      %mul3A_375 = arith.muli %add3A_373, %mul3A_374 : i32
      %add3A_376 = arith.addi %mul3A_91, %mul3A_375 : i32
      %swap3A_377 = arith.index_cast %add3A_376 : i32 to index
      %swap3A_378 = tpu.vector_load %arg11[%swap3A_377] {strides = array<i32>} : memref<544xf32, #tpu.memory_space<vmem>>, vector<16xf32>,
      tpu.vector_store %arg11[%swap3A_377], %add3A_350 {strides = array<i32>} : memref<544xf32, #tpu.memory_space<vmem>>, vector<16xf32>,
      %add3A_379 = arith.constant 3 : i32
      %add3A_380 = arith.addi %mul3A_95, %add3A_379 : i32
      %mul3A_381 = arith.constant 17 : i32
      %mul3A_382 = arith.muli %add3A_380, %mul3A_381 : i32
      %add3A_383 = arith.addi %mul3A_91, %mul3A_382 : i32
      %swap3A_384 = arith.index_cast %add3A_383 : i32 to index
      %swap3A_385 = tpu.vector_load %arg11[%swap3A_384] {strides = array<i32>} : memref<544xf32, #tpu.memory_space<vmem>>, vector<16xf32>,
      tpu.vector_store %arg11[%swap3A_384], %add3A_358 {strides = array<i32>} : memref<544xf32, #tpu.memory_space<vmem>>, vector<16xf32>,
      %scan3A_386 = arith.constant 0 : i32
      %scan3A_387 = arith.constant 1 : i32
      %mul3A_388 = arith.constant 4 : i32
      %mul3A_389 = arith.muli %scan3A_387, %mul3A_388 : i32
      %add3A_390 = arith.addi %add3A_87, %mul3A_389 : i32
      %add3A_391 = arith.constant 0 : i32
      %add3A_392 = arith.addi %add3A_390, %add3A_391 : i32
      %add3A_393 = arith.addi %add3A_87, %mul3A_389 : i32
      %add3A_394 = arith.constant 1 : i32
      %add3A_395 = arith.addi %add3A_393, %add3A_394 : i32
      %add3A_396 = arith.addi %add3A_87, %mul3A_389 : i32
      %add3A_397 = arith.constant 2 : i32
      %add3A_398 = arith.addi %add3A_396, %add3A_397 : i32
      %add3A_399 = arith.addi %add3A_87, %mul3A_389 : i32
      %add3A_400 = arith.constant 3 : i32
      %add3A_401 = arith.addi %add3A_399, %add3A_400 : i32
      %get3A_402 = arith.index_cast %add3A_392 : i32 to index
      %get3A_403 = arith.constant 0 : index
      %get3A_404 = tpu.vector_load %arg9[%get3A_402, %get3A_403] {strides = array<i32>} : memref<192x128xf32, #tpu.memory_space<vmem>>, vector<16xf32>,
      %get3A_405 = arith.index_cast %add3A_392 : i32 to index
      %get3A_406 = arith.constant 0 : index
      %get3A_407 = tpu.vector_load %arg10[%get3A_405, %get3A_406] {strides = array<i32>} : memref<192x128xf32, #tpu.memory_space<vmem>>, vector<16xf32>,
      %mul3A_408 = arith.mulf %get3A_404, %get3A_407 : vector<16xf32>
      %get3A_409 = arith.index_cast %add3A_395 : i32 to index
      %get3A_410 = arith.constant 0 : index
      %get3A_411 = tpu.vector_load %arg9[%get3A_409, %get3A_410] {strides = array<i32>} : memref<192x128xf32, #tpu.memory_space<vmem>>, vector<16xf32>,
      %get3A_412 = arith.index_cast %add3A_395 : i32 to index
      %get3A_413 = arith.constant 0 : index
      %get3A_414 = tpu.vector_load %arg10[%get3A_412, %get3A_413] {strides = array<i32>} : memref<192x128xf32, #tpu.memory_space<vmem>>, vector<16xf32>,
      %mul3A_415 = arith.mulf %get3A_411, %get3A_414 : vector<16xf32>
      %get3A_416 = arith.index_cast %add3A_398 : i32 to index
      %get3A_417 = arith.constant 0 : index
      %get3A_418 = tpu.vector_load %arg9[%get3A_416, %get3A_417] {strides = array<i32>} : memref<192x128xf32, #tpu.memory_space<vmem>>, vector<16xf32>,
      %get3A_419 = arith.index_cast %add3A_398 : i32 to index
      %get3A_420 = arith.constant 0 : index
      %get3A_421 = tpu.vector_load %arg10[%get3A_419, %get3A_420] {strides = array<i32>} : memref<192x128xf32, #tpu.memory_space<vmem>>, vector<16xf32>,
      %mul3A_422 = arith.mulf %get3A_418, %get3A_421 : vector<16xf32>
      %get3A_423 = arith.index_cast %add3A_401 : i32 to index
      %get3A_424 = arith.constant 0 : index
      %get3A_425 = tpu.vector_load %arg9[%get3A_423, %get3A_424] {strides = array<i32>} : memref<192x128xf32, #tpu.memory_space<vmem>>, vector<16xf32>,
      %get3A_426 = arith.index_cast %add3A_401 : i32 to index
      %get3A_427 = arith.constant 0 : index
      %get3A_428 = tpu.vector_load %arg10[%get3A_426, %get3A_427] {strides = array<i32>} : memref<192x128xf32, #tpu.memory_space<vmem>>, vector<16xf32>,
      %mul3A_429 = arith.mulf %get3A_425, %get3A_428 : vector<16xf32>
      %get3A_430 = arith.index_cast %add3A_392 : i32 to index
      %get3A_431 = arith.constant 16 : index
      %get3A_432 = tpu.vector_load %arg9[%get3A_430, %get3A_431] {strides = array<i32>} : memref<192x128xf32, #tpu.memory_space<vmem>>, vector<16xf32>,
      %get3A_433 = arith.index_cast %add3A_392 : i32 to index
      %get3A_434 = arith.constant 16 : index
      %get3A_435 = tpu.vector_load %arg10[%get3A_433, %get3A_434] {strides = array<i32>} : memref<192x128xf32, #tpu.memory_space<vmem>>, vector<16xf32>,
      %mul3A_436 = arith.mulf %get3A_432, %get3A_435 : vector<16xf32>
      %add3A_437 = arith.addf %mul3A_408, %mul3A_436 : vector<16xf32>
      %get3A_438 = arith.index_cast %add3A_395 : i32 to index
      %get3A_439 = arith.constant 16 : index
      %get3A_440 = tpu.vector_load %arg9[%get3A_438, %get3A_439] {strides = array<i32>} : memref<192x128xf32, #tpu.memory_space<vmem>>, vector<16xf32>,
      %get3A_441 = arith.index_cast %add3A_395 : i32 to index
      %get3A_442 = arith.constant 16 : index
      %get3A_443 = tpu.vector_load %arg10[%get3A_441, %get3A_442] {strides = array<i32>} : memref<192x128xf32, #tpu.memory_space<vmem>>, vector<16xf32>,
      %mul3A_444 = arith.mulf %get3A_440, %get3A_443 : vector<16xf32>
      %add3A_445 = arith.addf %mul3A_415, %mul3A_444 : vector<16xf32>
      %get3A_446 = arith.index_cast %add3A_398 : i32 to index
      %get3A_447 = arith.constant 16 : index
      %get3A_448 = tpu.vector_load %arg9[%get3A_446, %get3A_447] {strides = array<i32>} : memref<192x128xf32, #tpu.memory_space<vmem>>, vector<16xf32>,
      %get3A_449 = arith.index_cast %add3A_398 : i32 to index
      %get3A_450 = arith.constant 16 : index
      %get3A_451 = tpu.vector_load %arg10[%get3A_449, %get3A_450] {strides = array<i32>} : memref<192x128xf32, #tpu.memory_space<vmem>>, vector<16xf32>,
      %mul3A_452 = arith.mulf %get3A_448, %get3A_451 : vector<16xf32>
      %add3A_453 = arith.addf %mul3A_422, %mul3A_452 : vector<16xf32>
      %get3A_454 = arith.index_cast %add3A_401 : i32 to index
      %get3A_455 = arith.constant 16 : index
      %get3A_456 = tpu.vector_load %arg9[%get3A_454, %get3A_455] {strides = array<i32>} : memref<192x128xf32, #tpu.memory_space<vmem>>, vector<16xf32>,
      %get3A_457 = arith.index_cast %add3A_401 : i32 to index
      %get3A_458 = arith.constant 16 : index
      %get3A_459 = tpu.vector_load %arg10[%get3A_457, %get3A_458] {strides = array<i32>} : memref<192x128xf32, #tpu.memory_space<vmem>>, vector<16xf32>,
      %mul3A_460 = arith.mulf %get3A_456, %get3A_459 : vector<16xf32>
      %add3A_461 = arith.addf %mul3A_429, %mul3A_460 : vector<16xf32>
      %get3A_462 = arith.index_cast %add3A_392 : i32 to index
      %get3A_463 = arith.constant 32 : index
      %get3A_464 = tpu.vector_load %arg9[%get3A_462, %get3A_463] {strides = array<i32>} : memref<192x128xf32, #tpu.memory_space<vmem>>, vector<16xf32>,
      %get3A_465 = arith.index_cast %add3A_392 : i32 to index
      %get3A_466 = arith.constant 32 : index
      %get3A_467 = tpu.vector_load %arg10[%get3A_465, %get3A_466] {strides = array<i32>} : memref<192x128xf32, #tpu.memory_space<vmem>>, vector<16xf32>,
      %mul3A_468 = arith.mulf %get3A_464, %get3A_467 : vector<16xf32>
      %add3A_469 = arith.addf %add3A_437, %mul3A_468 : vector<16xf32>
      %get3A_470 = arith.index_cast %add3A_395 : i32 to index
      %get3A_471 = arith.constant 32 : index
      %get3A_472 = tpu.vector_load %arg9[%get3A_470, %get3A_471] {strides = array<i32>} : memref<192x128xf32, #tpu.memory_space<vmem>>, vector<16xf32>,
      %get3A_473 = arith.index_cast %add3A_395 : i32 to index
      %get3A_474 = arith.constant 32 : index
      %get3A_475 = tpu.vector_load %arg10[%get3A_473, %get3A_474] {strides = array<i32>} : memref<192x128xf32, #tpu.memory_space<vmem>>, vector<16xf32>,
      %mul3A_476 = arith.mulf %get3A_472, %get3A_475 : vector<16xf32>
      %add3A_477 = arith.addf %add3A_445, %mul3A_476 : vector<16xf32>
      %get3A_478 = arith.index_cast %add3A_398 : i32 to index
      %get3A_479 = arith.constant 32 : index
      %get3A_480 = tpu.vector_load %arg9[%get3A_478, %get3A_479] {strides = array<i32>} : memref<192x128xf32, #tpu.memory_space<vmem>>, vector<16xf32>,
      %get3A_481 = arith.index_cast %add3A_398 : i32 to index
      %get3A_482 = arith.constant 32 : index
      %get3A_483 = tpu.vector_load %arg10[%get3A_481, %get3A_482] {strides = array<i32>} : memref<192x128xf32, #tpu.memory_space<vmem>>, vector<16xf32>,
      %mul3A_484 = arith.mulf %get3A_480, %get3A_483 : vector<16xf32>
      %add3A_485 = arith.addf %add3A_453, %mul3A_484 : vector<16xf32>
      %get3A_486 = arith.index_cast %add3A_401 : i32 to index
      %get3A_487 = arith.constant 32 : index
      %get3A_488 = tpu.vector_load %arg9[%get3A_486, %get3A_487] {strides = array<i32>} : memref<192x128xf32, #tpu.memory_space<vmem>>, vector<16xf32>,
      %get3A_489 = arith.index_cast %add3A_401 : i32 to index
      %get3A_490 = arith.constant 32 : index
      %get3A_491 = tpu.vector_load %arg10[%get3A_489, %get3A_490] {strides = array<i32>} : memref<192x128xf32, #tpu.memory_space<vmem>>, vector<16xf32>,
      %mul3A_492 = arith.mulf %get3A_488, %get3A_491 : vector<16xf32>
      %add3A_493 = arith.addf %add3A_461, %mul3A_492 : vector<16xf32>
      %get3A_494 = arith.index_cast %add3A_392 : i32 to index
      %get3A_495 = arith.constant 48 : index
      %get3A_496 = tpu.vector_load %arg9[%get3A_494, %get3A_495] {strides = array<i32>} : memref<192x128xf32, #tpu.memory_space<vmem>>, vector<16xf32>,
      %get3A_497 = arith.index_cast %add3A_392 : i32 to index
      %get3A_498 = arith.constant 48 : index
      %get3A_499 = tpu.vector_load %arg10[%get3A_497, %get3A_498] {strides = array<i32>} : memref<192x128xf32, #tpu.memory_space<vmem>>, vector<16xf32>,
      %mul3A_500 = arith.mulf %get3A_496, %get3A_499 : vector<16xf32>
      %add3A_501 = arith.addf %add3A_469, %mul3A_500 : vector<16xf32>
      %get3A_502 = arith.index_cast %add3A_395 : i32 to index
      %get3A_503 = arith.constant 48 : index
      %get3A_504 = tpu.vector_load %arg9[%get3A_502, %get3A_503] {strides = array<i32>} : memref<192x128xf32, #tpu.memory_space<vmem>>, vector<16xf32>,
      %get3A_505 = arith.index_cast %add3A_395 : i32 to index
      %get3A_506 = arith.constant 48 : index
      %get3A_507 = tpu.vector_load %arg10[%get3A_505, %get3A_506] {strides = array<i32>} : memref<192x128xf32, #tpu.memory_space<vmem>>, vector<16xf32>,
      %mul3A_508 = arith.mulf %get3A_504, %get3A_507 : vector<16xf32>
      %add3A_509 = arith.addf %add3A_477, %mul3A_508 : vector<16xf32>
      %get3A_510 = arith.index_cast %add3A_398 : i32 to index
      %get3A_511 = arith.constant 48 : index
      %get3A_512 = tpu.vector_load %arg9[%get3A_510, %get3A_511] {strides = array<i32>} : memref<192x128xf32, #tpu.memory_space<vmem>>, vector<16xf32>,
      %get3A_513 = arith.index_cast %add3A_398 : i32 to index
      %get3A_514 = arith.constant 48 : index
      %get3A_515 = tpu.vector_load %arg10[%get3A_513, %get3A_514] {strides = array<i32>} : memref<192x128xf32, #tpu.memory_space<vmem>>, vector<16xf32>,
      %mul3A_516 = arith.mulf %get3A_512, %get3A_515 : vector<16xf32>
      %add3A_517 = arith.addf %add3A_485, %mul3A_516 : vector<16xf32>
      %get3A_518 = arith.index_cast %add3A_401 : i32 to index
      %get3A_519 = arith.constant 48 : index
      %get3A_520 = tpu.vector_load %arg9[%get3A_518, %get3A_519] {strides = array<i32>} : memref<192x128xf32, #tpu.memory_space<vmem>>, vector<16xf32>,
      %get3A_521 = arith.index_cast %add3A_401 : i32 to index
      %get3A_522 = arith.constant 48 : index
      %get3A_523 = tpu.vector_load %arg10[%get3A_521, %get3A_522] {strides = array<i32>} : memref<192x128xf32, #tpu.memory_space<vmem>>, vector<16xf32>,
      %mul3A_524 = arith.mulf %get3A_520, %get3A_523 : vector<16xf32>
      %add3A_525 = arith.addf %add3A_493, %mul3A_524 : vector<16xf32>
      %get3A_526 = arith.index_cast %add3A_392 : i32 to index
      %get3A_527 = arith.constant 64 : index
      %get3A_528 = tpu.vector_load %arg9[%get3A_526, %get3A_527] {strides = array<i32>} : memref<192x128xf32, #tpu.memory_space<vmem>>, vector<16xf32>,
      %get3A_529 = arith.index_cast %add3A_392 : i32 to index
      %get3A_530 = arith.constant 64 : index
      %get3A_531 = tpu.vector_load %arg10[%get3A_529, %get3A_530] {strides = array<i32>} : memref<192x128xf32, #tpu.memory_space<vmem>>, vector<16xf32>,
      %mul3A_532 = arith.mulf %get3A_528, %get3A_531 : vector<16xf32>
      %add3A_533 = arith.addf %add3A_501, %mul3A_532 : vector<16xf32>
      %get3A_534 = arith.index_cast %add3A_395 : i32 to index
      %get3A_535 = arith.constant 64 : index
      %get3A_536 = tpu.vector_load %arg9[%get3A_534, %get3A_535] {strides = array<i32>} : memref<192x128xf32, #tpu.memory_space<vmem>>, vector<16xf32>,
      %get3A_537 = arith.index_cast %add3A_395 : i32 to index
      %get3A_538 = arith.constant 64 : index
      %get3A_539 = tpu.vector_load %arg10[%get3A_537, %get3A_538] {strides = array<i32>} : memref<192x128xf32, #tpu.memory_space<vmem>>, vector<16xf32>,
      %mul3A_540 = arith.mulf %get3A_536, %get3A_539 : vector<16xf32>
      %add3A_541 = arith.addf %add3A_509, %mul3A_540 : vector<16xf32>
      %get3A_542 = arith.index_cast %add3A_398 : i32 to index
      %get3A_543 = arith.constant 64 : index
      %get3A_544 = tpu.vector_load %arg9[%get3A_542, %get3A_543] {strides = array<i32>} : memref<192x128xf32, #tpu.memory_space<vmem>>, vector<16xf32>,
      %get3A_545 = arith.index_cast %add3A_398 : i32 to index
      %get3A_546 = arith.constant 64 : index
      %get3A_547 = tpu.vector_load %arg10[%get3A_545, %get3A_546] {strides = array<i32>} : memref<192x128xf32, #tpu.memory_space<vmem>>, vector<16xf32>,
      %mul3A_548 = arith.mulf %get3A_544, %get3A_547 : vector<16xf32>
      %add3A_549 = arith.addf %add3A_517, %mul3A_548 : vector<16xf32>
      %get3A_550 = arith.index_cast %add3A_401 : i32 to index
      %get3A_551 = arith.constant 64 : index
      %get3A_552 = tpu.vector_load %arg9[%get3A_550, %get3A_551] {strides = array<i32>} : memref<192x128xf32, #tpu.memory_space<vmem>>, vector<16xf32>,
      %get3A_553 = arith.index_cast %add3A_401 : i32 to index
      %get3A_554 = arith.constant 64 : index
      %get3A_555 = tpu.vector_load %arg10[%get3A_553, %get3A_554] {strides = array<i32>} : memref<192x128xf32, #tpu.memory_space<vmem>>, vector<16xf32>,
      %mul3A_556 = arith.mulf %get3A_552, %get3A_555 : vector<16xf32>
      %add3A_557 = arith.addf %add3A_525, %mul3A_556 : vector<16xf32>
      %get3A_558 = arith.index_cast %add3A_392 : i32 to index
      %get3A_559 = arith.constant 80 : index
      %get3A_560 = tpu.vector_load %arg9[%get3A_558, %get3A_559] {strides = array<i32>} : memref<192x128xf32, #tpu.memory_space<vmem>>, vector<16xf32>,
      %get3A_561 = arith.index_cast %add3A_392 : i32 to index
      %get3A_562 = arith.constant 80 : index
      %get3A_563 = tpu.vector_load %arg10[%get3A_561, %get3A_562] {strides = array<i32>} : memref<192x128xf32, #tpu.memory_space<vmem>>, vector<16xf32>,
      %mul3A_564 = arith.mulf %get3A_560, %get3A_563 : vector<16xf32>
      %add3A_565 = arith.addf %add3A_533, %mul3A_564 : vector<16xf32>
      %get3A_566 = arith.index_cast %add3A_395 : i32 to index
      %get3A_567 = arith.constant 80 : index
      %get3A_568 = tpu.vector_load %arg9[%get3A_566, %get3A_567] {strides = array<i32>} : memref<192x128xf32, #tpu.memory_space<vmem>>, vector<16xf32>,
      %get3A_569 = arith.index_cast %add3A_395 : i32 to index
      %get3A_570 = arith.constant 80 : index
      %get3A_571 = tpu.vector_load %arg10[%get3A_569, %get3A_570] {strides = array<i32>} : memref<192x128xf32, #tpu.memory_space<vmem>>, vector<16xf32>,
      %mul3A_572 = arith.mulf %get3A_568, %get3A_571 : vector<16xf32>
      %add3A_573 = arith.addf %add3A_541, %mul3A_572 : vector<16xf32>
      %get3A_574 = arith.index_cast %add3A_398 : i32 to index
      %get3A_575 = arith.constant 80 : index
      %get3A_576 = tpu.vector_load %arg9[%get3A_574, %get3A_575] {strides = array<i32>} : memref<192x128xf32, #tpu.memory_space<vmem>>, vector<16xf32>,
      %get3A_577 = arith.index_cast %add3A_398 : i32 to index
      %get3A_578 = arith.constant 80 : index
      %get3A_579 = tpu.vector_load %arg10[%get3A_577, %get3A_578] {strides = array<i32>} : memref<192x128xf32, #tpu.memory_space<vmem>>, vector<16xf32>,
      %mul3A_580 = arith.mulf %get3A_576, %get3A_579 : vector<16xf32>
      %add3A_581 = arith.addf %add3A_549, %mul3A_580 : vector<16xf32>
      %get3A_582 = arith.index_cast %add3A_401 : i32 to index
      %get3A_583 = arith.constant 80 : index
      %get3A_584 = tpu.vector_load %arg9[%get3A_582, %get3A_583] {strides = array<i32>} : memref<192x128xf32, #tpu.memory_space<vmem>>, vector<16xf32>,
      %get3A_585 = arith.index_cast %add3A_401 : i32 to index
      %get3A_586 = arith.constant 80 : index
      %get3A_587 = tpu.vector_load %arg10[%get3A_585, %get3A_586] {strides = array<i32>} : memref<192x128xf32, #tpu.memory_space<vmem>>, vector<16xf32>,
      %mul3A_588 = arith.mulf %get3A_584, %get3A_587 : vector<16xf32>
      %add3A_589 = arith.addf %add3A_557, %mul3A_588 : vector<16xf32>
      %get3A_590 = arith.index_cast %add3A_392 : i32 to index
      %get3A_591 = arith.constant 96 : index
      %get3A_592 = tpu.vector_load %arg9[%get3A_590, %get3A_591] {strides = array<i32>} : memref<192x128xf32, #tpu.memory_space<vmem>>, vector<16xf32>,
      %get3A_593 = arith.index_cast %add3A_392 : i32 to index
      %get3A_594 = arith.constant 96 : index
      %get3A_595 = tpu.vector_load %arg10[%get3A_593, %get3A_594] {strides = array<i32>} : memref<192x128xf32, #tpu.memory_space<vmem>>, vector<16xf32>,
      %mul3A_596 = arith.mulf %get3A_592, %get3A_595 : vector<16xf32>
      %add3A_597 = arith.addf %add3A_565, %mul3A_596 : vector<16xf32>
      %get3A_598 = arith.index_cast %add3A_395 : i32 to index
      %get3A_599 = arith.constant 96 : index
      %get3A_600 = tpu.vector_load %arg9[%get3A_598, %get3A_599] {strides = array<i32>} : memref<192x128xf32, #tpu.memory_space<vmem>>, vector<16xf32>,
      %get3A_601 = arith.index_cast %add3A_395 : i32 to index
      %get3A_602 = arith.constant 96 : index
      %get3A_603 = tpu.vector_load %arg10[%get3A_601, %get3A_602] {strides = array<i32>} : memref<192x128xf32, #tpu.memory_space<vmem>>, vector<16xf32>,
      %mul3A_604 = arith.mulf %get3A_600, %get3A_603 : vector<16xf32>
      %add3A_605 = arith.addf %add3A_573, %mul3A_604 : vector<16xf32>
      %get3A_606 = arith.index_cast %add3A_398 : i32 to index
      %get3A_607 = arith.constant 96 : index
      %get3A_608 = tpu.vector_load %arg9[%get3A_606, %get3A_607] {strides = array<i32>} : memref<192x128xf32, #tpu.memory_space<vmem>>, vector<16xf32>,
      %get3A_609 = arith.index_cast %add3A_398 : i32 to index
      %get3A_610 = arith.constant 96 : index
      %get3A_611 = tpu.vector_load %arg10[%get3A_609, %get3A_610] {strides = array<i32>} : memref<192x128xf32, #tpu.memory_space<vmem>>, vector<16xf32>,
      %mul3A_612 = arith.mulf %get3A_608, %get3A_611 : vector<16xf32>
      %add3A_613 = arith.addf %add3A_581, %mul3A_612 : vector<16xf32>
      %get3A_614 = arith.index_cast %add3A_401 : i32 to index
      %get3A_615 = arith.constant 96 : index
      %get3A_616 = tpu.vector_load %arg9[%get3A_614, %get3A_615] {strides = array<i32>} : memref<192x128xf32, #tpu.memory_space<vmem>>, vector<16xf32>,
      %get3A_617 = arith.index_cast %add3A_401 : i32 to index
      %get3A_618 = arith.constant 96 : index
      %get3A_619 = tpu.vector_load %arg10[%get3A_617, %get3A_618] {strides = array<i32>} : memref<192x128xf32, #tpu.memory_space<vmem>>, vector<16xf32>,
      %mul3A_620 = arith.mulf %get3A_616, %get3A_619 : vector<16xf32>
      %add3A_621 = arith.addf %add3A_589, %mul3A_620 : vector<16xf32>
      %get3A_622 = arith.index_cast %add3A_392 : i32 to index
      %get3A_623 = arith.constant 112 : index
      %get3A_624 = tpu.vector_load %arg9[%get3A_622, %get3A_623] {strides = array<i32>} : memref<192x128xf32, #tpu.memory_space<vmem>>, vector<16xf32>,
      %get3A_625 = arith.index_cast %add3A_392 : i32 to index
      %get3A_626 = arith.constant 112 : index
      %get3A_627 = tpu.vector_load %arg10[%get3A_625, %get3A_626] {strides = array<i32>} : memref<192x128xf32, #tpu.memory_space<vmem>>, vector<16xf32>,
      %mul3A_628 = arith.mulf %get3A_624, %get3A_627 : vector<16xf32>
      %add3A_629 = arith.addf %add3A_597, %mul3A_628 : vector<16xf32>
      %get3A_630 = arith.index_cast %add3A_395 : i32 to index
      %get3A_631 = arith.constant 112 : index
      %get3A_632 = tpu.vector_load %arg9[%get3A_630, %get3A_631] {strides = array<i32>} : memref<192x128xf32, #tpu.memory_space<vmem>>, vector<16xf32>,
      %get3A_633 = arith.index_cast %add3A_395 : i32 to index
      %get3A_634 = arith.constant 112 : index
      %get3A_635 = tpu.vector_load %arg10[%get3A_633, %get3A_634] {strides = array<i32>} : memref<192x128xf32, #tpu.memory_space<vmem>>, vector<16xf32>,
      %mul3A_636 = arith.mulf %get3A_632, %get3A_635 : vector<16xf32>
      %add3A_637 = arith.addf %add3A_605, %mul3A_636 : vector<16xf32>
      %get3A_638 = arith.index_cast %add3A_398 : i32 to index
      %get3A_639 = arith.constant 112 : index
      %get3A_640 = tpu.vector_load %arg9[%get3A_638, %get3A_639] {strides = array<i32>} : memref<192x128xf32, #tpu.memory_space<vmem>>, vector<16xf32>,
      %get3A_641 = arith.index_cast %add3A_398 : i32 to index
      %get3A_642 = arith.constant 112 : index
      %get3A_643 = tpu.vector_load %arg10[%get3A_641, %get3A_642] {strides = array<i32>} : memref<192x128xf32, #tpu.memory_space<vmem>>, vector<16xf32>,
      %mul3A_644 = arith.mulf %get3A_640, %get3A_643 : vector<16xf32>
      %add3A_645 = arith.addf %add3A_613, %mul3A_644 : vector<16xf32>
      %get3A_646 = arith.index_cast %add3A_401 : i32 to index
      %get3A_647 = arith.constant 112 : index
      %get3A_648 = tpu.vector_load %arg9[%get3A_646, %get3A_647] {strides = array<i32>} : memref<192x128xf32, #tpu.memory_space<vmem>>, vector<16xf32>,
      %get3A_649 = arith.index_cast %add3A_401 : i32 to index
      %get3A_650 = arith.constant 112 : index
      %get3A_651 = tpu.vector_load %arg10[%get3A_649, %get3A_650] {strides = array<i32>} : memref<192x128xf32, #tpu.memory_space<vmem>>, vector<16xf32>,
      %mul3A_652 = arith.mulf %get3A_648, %get3A_651 : vector<16xf32>
      %add3A_653 = arith.addf %add3A_621, %mul3A_652 : vector<16xf32>
      %add3A_654 = arith.constant 0 : i32
      %add3A_655 = arith.addi %mul3A_389, %add3A_654 : i32
      %mul3A_656 = arith.constant 17 : i32
      %mul3A_657 = arith.muli %add3A_655, %mul3A_656 : i32
      %add3A_658 = arith.addi %mul3A_91, %mul3A_657 : i32
      %swap3A_659 = arith.index_cast %add3A_658 : i32 to index
      %swap3A_660 = tpu.vector_load %arg11[%swap3A_659] {strides = array<i32>} : memref<544xf32, #tpu.memory_space<vmem>>, vector<16xf32>,
      tpu.vector_store %arg11[%swap3A_659], %add3A_629 {strides = array<i32>} : memref<544xf32, #tpu.memory_space<vmem>>, vector<16xf32>,
      %add3A_661 = arith.constant 1 : i32
      %add3A_662 = arith.addi %mul3A_389, %add3A_661 : i32
      %mul3A_663 = arith.constant 17 : i32
      %mul3A_664 = arith.muli %add3A_662, %mul3A_663 : i32
      %add3A_665 = arith.addi %mul3A_91, %mul3A_664 : i32
      %swap3A_666 = arith.index_cast %add3A_665 : i32 to index
      %swap3A_667 = tpu.vector_load %arg11[%swap3A_666] {strides = array<i32>} : memref<544xf32, #tpu.memory_space<vmem>>, vector<16xf32>,
      tpu.vector_store %arg11[%swap3A_666], %add3A_637 {strides = array<i32>} : memref<544xf32, #tpu.memory_space<vmem>>, vector<16xf32>,
      %add3A_668 = arith.constant 2 : i32
      %add3A_669 = arith.addi %mul3A_389, %add3A_668 : i32
      %mul3A_670 = arith.constant 17 : i32
      %mul3A_671 = arith.muli %add3A_669, %mul3A_670 : i32
      %add3A_672 = arith.addi %mul3A_91, %mul3A_671 : i32
      %swap3A_673 = arith.index_cast %add3A_672 : i32 to index
      %swap3A_674 = tpu.vector_load %arg11[%swap3A_673] {strides = array<i32>} : memref<544xf32, #tpu.memory_space<vmem>>, vector<16xf32>,
      tpu.vector_store %arg11[%swap3A_673], %add3A_645 {strides = array<i32>} : memref<544xf32, #tpu.memory_space<vmem>>, vector<16xf32>,
      %add3A_675 = arith.constant 3 : i32
      %add3A_676 = arith.addi %mul3A_389, %add3A_675 : i32
      %mul3A_677 = arith.constant 17 : i32
      %mul3A_678 = arith.muli %add3A_676, %mul3A_677 : i32
      %add3A_679 = arith.addi %mul3A_91, %mul3A_678 : i32
      %swap3A_680 = arith.index_cast %add3A_679 : i32 to index
      %swap3A_681 = tpu.vector_load %arg11[%swap3A_680] {strides = array<i32>} : memref<544xf32, #tpu.memory_space<vmem>>, vector<16xf32>,
      tpu.vector_store %arg11[%swap3A_680], %add3A_653 {strides = array<i32>} : memref<544xf32, #tpu.memory_space<vmem>>, vector<16xf32>,
      %scan3A_682 = arith.constant 0 : i32
      %scan3A_683 = arith.constant 2 : i32
      %mul3A_684 = arith.constant 4 : i32
      %mul3A_685 = arith.muli %scan3A_683, %mul3A_684 : i32
      %add3A_686 = arith.addi %add3A_87, %mul3A_685 : i32
      %add3A_687 = arith.constant 0 : i32
      %add3A_688 = arith.addi %add3A_686, %add3A_687 : i32
      %add3A_689 = arith.addi %add3A_87, %mul3A_685 : i32
      %add3A_690 = arith.constant 1 : i32
      %add3A_691 = arith.addi %add3A_689, %add3A_690 : i32
      %add3A_692 = arith.addi %add3A_87, %mul3A_685 : i32
      %add3A_693 = arith.constant 2 : i32
      %add3A_694 = arith.addi %add3A_692, %add3A_693 : i32
      %add3A_695 = arith.addi %add3A_87, %mul3A_685 : i32
      %add3A_696 = arith.constant 3 : i32
      %add3A_697 = arith.addi %add3A_695, %add3A_696 : i32
      %get3A_698 = arith.index_cast %add3A_688 : i32 to index
      %get3A_699 = arith.constant 0 : index
      %get3A_700 = tpu.vector_load %arg9[%get3A_698, %get3A_699] {strides = array<i32>} : memref<192x128xf32, #tpu.memory_space<vmem>>, vector<16xf32>,
      %get3A_701 = arith.index_cast %add3A_688 : i32 to index
      %get3A_702 = arith.constant 0 : index
      %get3A_703 = tpu.vector_load %arg10[%get3A_701, %get3A_702] {strides = array<i32>} : memref<192x128xf32, #tpu.memory_space<vmem>>, vector<16xf32>,
      %mul3A_704 = arith.mulf %get3A_700, %get3A_703 : vector<16xf32>
      %get3A_705 = arith.index_cast %add3A_691 : i32 to index
      %get3A_706 = arith.constant 0 : index
      %get3A_707 = tpu.vector_load %arg9[%get3A_705, %get3A_706] {strides = array<i32>} : memref<192x128xf32, #tpu.memory_space<vmem>>, vector<16xf32>,
      %get3A_708 = arith.index_cast %add3A_691 : i32 to index
      %get3A_709 = arith.constant 0 : index
      %get3A_710 = tpu.vector_load %arg10[%get3A_708, %get3A_709] {strides = array<i32>} : memref<192x128xf32, #tpu.memory_space<vmem>>, vector<16xf32>,
      %mul3A_711 = arith.mulf %get3A_707, %get3A_710 : vector<16xf32>
      %get3A_712 = arith.index_cast %add3A_694 : i32 to index
      %get3A_713 = arith.constant 0 : index
      %get3A_714 = tpu.vector_load %arg9[%get3A_712, %get3A_713] {strides = array<i32>} : memref<192x128xf32, #tpu.memory_space<vmem>>, vector<16xf32>,
      %get3A_715 = arith.index_cast %add3A_694 : i32 to index
      %get3A_716 = arith.constant 0 : index
      %get3A_717 = tpu.vector_load %arg10[%get3A_715, %get3A_716] {strides = array<i32>} : memref<192x128xf32, #tpu.memory_space<vmem>>, vector<16xf32>,
      %mul3A_718 = arith.mulf %get3A_714, %get3A_717 : vector<16xf32>
      %get3A_719 = arith.index_cast %add3A_697 : i32 to index
      %get3A_720 = arith.constant 0 : index
      %get3A_721 = tpu.vector_load %arg9[%get3A_719, %get3A_720] {strides = array<i32>} : memref<192x128xf32, #tpu.memory_space<vmem>>, vector<16xf32>,
      %get3A_722 = arith.index_cast %add3A_697 : i32 to index
      %get3A_723 = arith.constant 0 : index
      %get3A_724 = tpu.vector_load %arg10[%get3A_722, %get3A_723] {strides = array<i32>} : memref<192x128xf32, #tpu.memory_space<vmem>>, vector<16xf32>,
      %mul3A_725 = arith.mulf %get3A_721, %get3A_724 : vector<16xf32>
      %get3A_726 = arith.index_cast %add3A_688 : i32 to index
      %get3A_727 = arith.constant 16 : index
      %get3A_728 = tpu.vector_load %arg9[%get3A_726, %get3A_727] {strides = array<i32>} : memref<192x128xf32, #tpu.memory_space<vmem>>, vector<16xf32>,
      %get3A_729 = arith.index_cast %add3A_688 : i32 to index
      %get3A_730 = arith.constant 16 : index
      %get3A_731 = tpu.vector_load %arg10[%get3A_729, %get3A_730] {strides = array<i32>} : memref<192x128xf32, #tpu.memory_space<vmem>>, vector<16xf32>,
      %mul3A_732 = arith.mulf %get3A_728, %get3A_731 : vector<16xf32>
      %add3A_733 = arith.addf %mul3A_704, %mul3A_732 : vector<16xf32>
      %get3A_734 = arith.index_cast %add3A_691 : i32 to index
      %get3A_735 = arith.constant 16 : index
      %get3A_736 = tpu.vector_load %arg9[%get3A_734, %get3A_735] {strides = array<i32>} : memref<192x128xf32, #tpu.memory_space<vmem>>, vector<16xf32>,
      %get3A_737 = arith.index_cast %add3A_691 : i32 to index
      %get3A_738 = arith.constant 16 : index
      %get3A_739 = tpu.vector_load %arg10[%get3A_737, %get3A_738] {strides = array<i32>} : memref<192x128xf32, #tpu.memory_space<vmem>>, vector<16xf32>,
      %mul3A_740 = arith.mulf %get3A_736, %get3A_739 : vector<16xf32>
      %add3A_741 = arith.addf %mul3A_711, %mul3A_740 : vector<16xf32>
      %get3A_742 = arith.index_cast %add3A_694 : i32 to index
      %get3A_743 = arith.constant 16 : index
      %get3A_744 = tpu.vector_load %arg9[%get3A_742, %get3A_743] {strides = array<i32>} : memref<192x128xf32, #tpu.memory_space<vmem>>, vector<16xf32>,
      %get3A_745 = arith.index_cast %add3A_694 : i32 to index
      %get3A_746 = arith.constant 16 : index
      %get3A_747 = tpu.vector_load %arg10[%get3A_745, %get3A_746] {strides = array<i32>} : memref<192x128xf32, #tpu.memory_space<vmem>>, vector<16xf32>,
      %mul3A_748 = arith.mulf %get3A_744, %get3A_747 : vector<16xf32>
      %add3A_749 = arith.addf %mul3A_718, %mul3A_748 : vector<16xf32>
      %get3A_750 = arith.index_cast %add3A_697 : i32 to index
      %get3A_751 = arith.constant 16 : index
      %get3A_752 = tpu.vector_load %arg9[%get3A_750, %get3A_751] {strides = array<i32>} : memref<192x128xf32, #tpu.memory_space<vmem>>, vector<16xf32>,
      %get3A_753 = arith.index_cast %add3A_697 : i32 to index
      %get3A_754 = arith.constant 16 : index
      %get3A_755 = tpu.vector_load %arg10[%get3A_753, %get3A_754] {strides = array<i32>} : memref<192x128xf32, #tpu.memory_space<vmem>>, vector<16xf32>,
      %mul3A_756 = arith.mulf %get3A_752, %get3A_755 : vector<16xf32>
      %add3A_757 = arith.addf %mul3A_725, %mul3A_756 : vector<16xf32>
      %get3A_758 = arith.index_cast %add3A_688 : i32 to index
      %get3A_759 = arith.constant 32 : index
      %get3A_760 = tpu.vector_load %arg9[%get3A_758, %get3A_759] {strides = array<i32>} : memref<192x128xf32, #tpu.memory_space<vmem>>, vector<16xf32>,
      %get3A_761 = arith.index_cast %add3A_688 : i32 to index
      %get3A_762 = arith.constant 32 : index
      %get3A_763 = tpu.vector_load %arg10[%get3A_761, %get3A_762] {strides = array<i32>} : memref<192x128xf32, #tpu.memory_space<vmem>>, vector<16xf32>,
      %mul3A_764 = arith.mulf %get3A_760, %get3A_763 : vector<16xf32>
      %add3A_765 = arith.addf %add3A_733, %mul3A_764 : vector<16xf32>
      %get3A_766 = arith.index_cast %add3A_691 : i32 to index
      %get3A_767 = arith.constant 32 : index
      %get3A_768 = tpu.vector_load %arg9[%get3A_766, %get3A_767] {strides = array<i32>} : memref<192x128xf32, #tpu.memory_space<vmem>>, vector<16xf32>,
      %get3A_769 = arith.index_cast %add3A_691 : i32 to index
      %get3A_770 = arith.constant 32 : index
      %get3A_771 = tpu.vector_load %arg10[%get3A_769, %get3A_770] {strides = array<i32>} : memref<192x128xf32, #tpu.memory_space<vmem>>, vector<16xf32>,
      %mul3A_772 = arith.mulf %get3A_768, %get3A_771 : vector<16xf32>
      %add3A_773 = arith.addf %add3A_741, %mul3A_772 : vector<16xf32>
      %get3A_774 = arith.index_cast %add3A_694 : i32 to index
      %get3A_775 = arith.constant 32 : index
      %get3A_776 = tpu.vector_load %arg9[%get3A_774, %get3A_775] {strides = array<i32>} : memref<192x128xf32, #tpu.memory_space<vmem>>, vector<16xf32>,
      %get3A_777 = arith.index_cast %add3A_694 : i32 to index
      %get3A_778 = arith.constant 32 : index
      %get3A_779 = tpu.vector_load %arg10[%get3A_777, %get3A_778] {strides = array<i32>} : memref<192x128xf32, #tpu.memory_space<vmem>>, vector<16xf32>,
      %mul3A_780 = arith.mulf %get3A_776, %get3A_779 : vector<16xf32>
      %add3A_781 = arith.addf %add3A_749, %mul3A_780 : vector<16xf32>
      %get3A_782 = arith.index_cast %add3A_697 : i32 to index
      %get3A_783 = arith.constant 32 : index
      %get3A_784 = tpu.vector_load %arg9[%get3A_782, %get3A_783] {strides = array<i32>} : memref<192x128xf32, #tpu.memory_space<vmem>>, vector<16xf32>,
      %get3A_785 = arith.index_cast %add3A_697 : i32 to index
      %get3A_786 = arith.constant 32 : index
      %get3A_787 = tpu.vector_load %arg10[%get3A_785, %get3A_786] {strides = array<i32>} : memref<192x128xf32, #tpu.memory_space<vmem>>, vector<16xf32>,
      %mul3A_788 = arith.mulf %get3A_784, %get3A_787 : vector<16xf32>
      %add3A_789 = arith.addf %add3A_757, %mul3A_788 : vector<16xf32>
      %get3A_790 = arith.index_cast %add3A_688 : i32 to index
      %get3A_791 = arith.constant 48 : index
      %get3A_792 = tpu.vector_load %arg9[%get3A_790, %get3A_791] {strides = array<i32>} : memref<192x128xf32, #tpu.memory_space<vmem>>, vector<16xf32>,
      %get3A_793 = arith.index_cast %add3A_688 : i32 to index
      %get3A_794 = arith.constant 48 : index
      %get3A_795 = tpu.vector_load %arg10[%get3A_793, %get3A_794] {strides = array<i32>} : memref<192x128xf32, #tpu.memory_space<vmem>>, vector<16xf32>,
      %mul3A_796 = arith.mulf %get3A_792, %get3A_795 : vector<16xf32>
      %add3A_797 = arith.addf %add3A_765, %mul3A_796 : vector<16xf32>
      %get3A_798 = arith.index_cast %add3A_691 : i32 to index
      %get3A_799 = arith.constant 48 : index
      %get3A_800 = tpu.vector_load %arg9[%get3A_798, %get3A_799] {strides = array<i32>} : memref<192x128xf32, #tpu.memory_space<vmem>>, vector<16xf32>,
      %get3A_801 = arith.index_cast %add3A_691 : i32 to index
      %get3A_802 = arith.constant 48 : index
      %get3A_803 = tpu.vector_load %arg10[%get3A_801, %get3A_802] {strides = array<i32>} : memref<192x128xf32, #tpu.memory_space<vmem>>, vector<16xf32>,
      %mul3A_804 = arith.mulf %get3A_800, %get3A_803 : vector<16xf32>
      %add3A_805 = arith.addf %add3A_773, %mul3A_804 : vector<16xf32>
      %get3A_806 = arith.index_cast %add3A_694 : i32 to index
      %get3A_807 = arith.constant 48 : index
      %get3A_808 = tpu.vector_load %arg9[%get3A_806, %get3A_807] {strides = array<i32>} : memref<192x128xf32, #tpu.memory_space<vmem>>, vector<16xf32>,
      %get3A_809 = arith.index_cast %add3A_694 : i32 to index
      %get3A_810 = arith.constant 48 : index
      %get3A_811 = tpu.vector_load %arg10[%get3A_809, %get3A_810] {strides = array<i32>} : memref<192x128xf32, #tpu.memory_space<vmem>>, vector<16xf32>,
      %mul3A_812 = arith.mulf %get3A_808, %get3A_811 : vector<16xf32>
      %add3A_813 = arith.addf %add3A_781, %mul3A_812 : vector<16xf32>
      %get3A_814 = arith.index_cast %add3A_697 : i32 to index
      %get3A_815 = arith.constant 48 : index
      %get3A_816 = tpu.vector_load %arg9[%get3A_814, %get3A_815] {strides = array<i32>} : memref<192x128xf32, #tpu.memory_space<vmem>>, vector<16xf32>,
      %get3A_817 = arith.index_cast %add3A_697 : i32 to index
      %get3A_818 = arith.constant 48 : index
      %get3A_819 = tpu.vector_load %arg10[%get3A_817, %get3A_818] {strides = array<i32>} : memref<192x128xf32, #tpu.memory_space<vmem>>, vector<16xf32>,
      %mul3A_820 = arith.mulf %get3A_816, %get3A_819 : vector<16xf32>
      %add3A_821 = arith.addf %add3A_789, %mul3A_820 : vector<16xf32>
      %get3A_822 = arith.index_cast %add3A_688 : i32 to index
      %get3A_823 = arith.constant 64 : index
      %get3A_824 = tpu.vector_load %arg9[%get3A_822, %get3A_823] {strides = array<i32>} : memref<192x128xf32, #tpu.memory_space<vmem>>, vector<16xf32>,
      %get3A_825 = arith.index_cast %add3A_688 : i32 to index
      %get3A_826 = arith.constant 64 : index
      %get3A_827 = tpu.vector_load %arg10[%get3A_825, %get3A_826] {strides = array<i32>} : memref<192x128xf32, #tpu.memory_space<vmem>>, vector<16xf32>,
      %mul3A_828 = arith.mulf %get3A_824, %get3A_827 : vector<16xf32>
      %add3A_829 = arith.addf %add3A_797, %mul3A_828 : vector<16xf32>
      %get3A_830 = arith.index_cast %add3A_691 : i32 to index
      %get3A_831 = arith.constant 64 : index
      %get3A_832 = tpu.vector_load %arg9[%get3A_830, %get3A_831] {strides = array<i32>} : memref<192x128xf32, #tpu.memory_space<vmem>>, vector<16xf32>,
      %get3A_833 = arith.index_cast %add3A_691 : i32 to index
      %get3A_834 = arith.constant 64 : index
      %get3A_835 = tpu.vector_load %arg10[%get3A_833, %get3A_834] {strides = array<i32>} : memref<192x128xf32, #tpu.memory_space<vmem>>, vector<16xf32>,
      %mul3A_836 = arith.mulf %get3A_832, %get3A_835 : vector<16xf32>
      %add3A_837 = arith.addf %add3A_805, %mul3A_836 : vector<16xf32>
      %get3A_838 = arith.index_cast %add3A_694 : i32 to index
      %get3A_839 = arith.constant 64 : index
      %get3A_840 = tpu.vector_load %arg9[%get3A_838, %get3A_839] {strides = array<i32>} : memref<192x128xf32, #tpu.memory_space<vmem>>, vector<16xf32>,
      %get3A_841 = arith.index_cast %add3A_694 : i32 to index
      %get3A_842 = arith.constant 64 : index
      %get3A_843 = tpu.vector_load %arg10[%get3A_841, %get3A_842] {strides = array<i32>} : memref<192x128xf32, #tpu.memory_space<vmem>>, vector<16xf32>,
      %mul3A_844 = arith.mulf %get3A_840, %get3A_843 : vector<16xf32>
      %add3A_845 = arith.addf %add3A_813, %mul3A_844 : vector<16xf32>
      %get3A_846 = arith.index_cast %add3A_697 : i32 to index
      %get3A_847 = arith.constant 64 : index
      %get3A_848 = tpu.vector_load %arg9[%get3A_846, %get3A_847] {strides = array<i32>} : memref<192x128xf32, #tpu.memory_space<vmem>>, vector<16xf32>,
      %get3A_849 = arith.index_cast %add3A_697 : i32 to index
      %get3A_850 = arith.constant 64 : index
      %get3A_851 = tpu.vector_load %arg10[%get3A_849, %get3A_850] {strides = array<i32>} : memref<192x128xf32, #tpu.memory_space<vmem>>, vector<16xf32>,
      %mul3A_852 = arith.mulf %get3A_848, %get3A_851 : vector<16xf32>
      %add3A_853 = arith.addf %add3A_821, %mul3A_852 : vector<16xf32>
      %get3A_854 = arith.index_cast %add3A_688 : i32 to index
      %get3A_855 = arith.constant 80 : index
      %get3A_856 = tpu.vector_load %arg9[%get3A_854, %get3A_855] {strides = array<i32>} : memref<192x128xf32, #tpu.memory_space<vmem>>, vector<16xf32>,
      %get3A_857 = arith.index_cast %add3A_688 : i32 to index
      %get3A_858 = arith.constant 80 : index
      %get3A_859 = tpu.vector_load %arg10[%get3A_857, %get3A_858] {strides = array<i32>} : memref<192x128xf32, #tpu.memory_space<vmem>>, vector<16xf32>,
      %mul3A_860 = arith.mulf %get3A_856, %get3A_859 : vector<16xf32>
      %add3A_861 = arith.addf %add3A_829, %mul3A_860 : vector<16xf32>
      %get3A_862 = arith.index_cast %add3A_691 : i32 to index
      %get3A_863 = arith.constant 80 : index
      %get3A_864 = tpu.vector_load %arg9[%get3A_862, %get3A_863] {strides = array<i32>} : memref<192x128xf32, #tpu.memory_space<vmem>>, vector<16xf32>,
      %get3A_865 = arith.index_cast %add3A_691 : i32 to index
      %get3A_866 = arith.constant 80 : index
      %get3A_867 = tpu.vector_load %arg10[%get3A_865, %get3A_866] {strides = array<i32>} : memref<192x128xf32, #tpu.memory_space<vmem>>, vector<16xf32>,
      %mul3A_868 = arith.mulf %get3A_864, %get3A_867 : vector<16xf32>
      %add3A_869 = arith.addf %add3A_837, %mul3A_868 : vector<16xf32>
      %get3A_870 = arith.index_cast %add3A_694 : i32 to index
      %get3A_871 = arith.constant 80 : index
      %get3A_872 = tpu.vector_load %arg9[%get3A_870, %get3A_871] {strides = array<i32>} : memref<192x128xf32, #tpu.memory_space<vmem>>, vector<16xf32>,
      %get3A_873 = arith.index_cast %add3A_694 : i32 to index
      %get3A_874 = arith.constant 80 : index
      %get3A_875 = tpu.vector_load %arg10[%get3A_873, %get3A_874] {strides = array<i32>} : memref<192x128xf32, #tpu.memory_space<vmem>>, vector<16xf32>,
      %mul3A_876 = arith.mulf %get3A_872, %get3A_875 : vector<16xf32>
      %add3A_877 = arith.addf %add3A_845, %mul3A_876 : vector<16xf32>
      %get3A_878 = arith.index_cast %add3A_697 : i32 to index
      %get3A_879 = arith.constant 80 : index
      %get3A_880 = tpu.vector_load %arg9[%get3A_878, %get3A_879] {strides = array<i32>} : memref<192x128xf32, #tpu.memory_space<vmem>>, vector<16xf32>,
      %get3A_881 = arith.index_cast %add3A_697 : i32 to index
      %get3A_882 = arith.constant 80 : index
      %get3A_883 = tpu.vector_load %arg10[%get3A_881, %get3A_882] {strides = array<i32>} : memref<192x128xf32, #tpu.memory_space<vmem>>, vector<16xf32>,
      %mul3A_884 = arith.mulf %get3A_880, %get3A_883 : vector<16xf32>
      %add3A_885 = arith.addf %add3A_853, %mul3A_884 : vector<16xf32>
      %get3A_886 = arith.index_cast %add3A_688 : i32 to index
      %get3A_887 = arith.constant 96 : index
      %get3A_888 = tpu.vector_load %arg9[%get3A_886, %get3A_887] {strides = array<i32>} : memref<192x128xf32, #tpu.memory_space<vmem>>, vector<16xf32>,
      %get3A_889 = arith.index_cast %add3A_688 : i32 to index
      %get3A_890 = arith.constant 96 : index
      %get3A_891 = tpu.vector_load %arg10[%get3A_889, %get3A_890] {strides = array<i32>} : memref<192x128xf32, #tpu.memory_space<vmem>>, vector<16xf32>,
      %mul3A_892 = arith.mulf %get3A_888, %get3A_891 : vector<16xf32>
      %add3A_893 = arith.addf %add3A_861, %mul3A_892 : vector<16xf32>
      %get3A_894 = arith.index_cast %add3A_691 : i32 to index
      %get3A_895 = arith.constant 96 : index
      %get3A_896 = tpu.vector_load %arg9[%get3A_894, %get3A_895] {strides = array<i32>} : memref<192x128xf32, #tpu.memory_space<vmem>>, vector<16xf32>,
      %get3A_897 = arith.index_cast %add3A_691 : i32 to index
      %get3A_898 = arith.constant 96 : index
      %get3A_899 = tpu.vector_load %arg10[%get3A_897, %get3A_898] {strides = array<i32>} : memref<192x128xf32, #tpu.memory_space<vmem>>, vector<16xf32>,
      %mul3A_900 = arith.mulf %get3A_896, %get3A_899 : vector<16xf32>
      %add3A_901 = arith.addf %add3A_869, %mul3A_900 : vector<16xf32>
      %get3A_902 = arith.index_cast %add3A_694 : i32 to index
      %get3A_903 = arith.constant 96 : index
      %get3A_904 = tpu.vector_load %arg9[%get3A_902, %get3A_903] {strides = array<i32>} : memref<192x128xf32, #tpu.memory_space<vmem>>, vector<16xf32>,
      %get3A_905 = arith.index_cast %add3A_694 : i32 to index
      %get3A_906 = arith.constant 96 : index
      %get3A_907 = tpu.vector_load %arg10[%get3A_905, %get3A_906] {strides = array<i32>} : memref<192x128xf32, #tpu.memory_space<vmem>>, vector<16xf32>,
      %mul3A_908 = arith.mulf %get3A_904, %get3A_907 : vector<16xf32>
      %add3A_909 = arith.addf %add3A_877, %mul3A_908 : vector<16xf32>
      %get3A_910 = arith.index_cast %add3A_697 : i32 to index
      %get3A_911 = arith.constant 96 : index
      %get3A_912 = tpu.vector_load %arg9[%get3A_910, %get3A_911] {strides = array<i32>} : memref<192x128xf32, #tpu.memory_space<vmem>>, vector<16xf32>,
      %get3A_913 = arith.index_cast %add3A_697 : i32 to index
      %get3A_914 = arith.constant 96 : index
      %get3A_915 = tpu.vector_load %arg10[%get3A_913, %get3A_914] {strides = array<i32>} : memref<192x128xf32, #tpu.memory_space<vmem>>, vector<16xf32>,
      %mul3A_916 = arith.mulf %get3A_912, %get3A_915 : vector<16xf32>
      %add3A_917 = arith.addf %add3A_885, %mul3A_916 : vector<16xf32>
      %get3A_918 = arith.index_cast %add3A_688 : i32 to index
      %get3A_919 = arith.constant 112 : index
      %get3A_920 = tpu.vector_load %arg9[%get3A_918, %get3A_919] {strides = array<i32>} : memref<192x128xf32, #tpu.memory_space<vmem>>, vector<16xf32>,
      %get3A_921 = arith.index_cast %add3A_688 : i32 to index
      %get3A_922 = arith.constant 112 : index
      %get3A_923 = tpu.vector_load %arg10[%get3A_921, %get3A_922] {strides = array<i32>} : memref<192x128xf32, #tpu.memory_space<vmem>>, vector<16xf32>,
      %mul3A_924 = arith.mulf %get3A_920, %get3A_923 : vector<16xf32>
      %add3A_925 = arith.addf %add3A_893, %mul3A_924 : vector<16xf32>
      %get3A_926 = arith.index_cast %add3A_691 : i32 to index
      %get3A_927 = arith.constant 112 : index
      %get3A_928 = tpu.vector_load %arg9[%get3A_926, %get3A_927] {strides = array<i32>} : memref<192x128xf32, #tpu.memory_space<vmem>>, vector<16xf32>,
      %get3A_929 = arith.index_cast %add3A_691 : i32 to index
      %get3A_930 = arith.constant 112 : index
      %get3A_931 = tpu.vector_load %arg10[%get3A_929, %get3A_930] {strides = array<i32>} : memref<192x128xf32, #tpu.memory_space<vmem>>, vector<16xf32>,
      %mul3A_932 = arith.mulf %get3A_928, %get3A_931 : vector<16xf32>
      %add3A_933 = arith.addf %add3A_901, %mul3A_932 : vector<16xf32>
      %get3A_934 = arith.index_cast %add3A_694 : i32 to index
      %get3A_935 = arith.constant 112 : index
      %get3A_936 = tpu.vector_load %arg9[%get3A_934, %get3A_935] {strides = array<i32>} : memref<192x128xf32, #tpu.memory_space<vmem>>, vector<16xf32>,
      %get3A_937 = arith.index_cast %add3A_694 : i32 to index
      %get3A_938 = arith.constant 112 : index
      %get3A_939 = tpu.vector_load %arg10[%get3A_937, %get3A_938] {strides = array<i32>} : memref<192x128xf32, #tpu.memory_space<vmem>>, vector<16xf32>,
      %mul3A_940 = arith.mulf %get3A_936, %get3A_939 : vector<16xf32>
      %add3A_941 = arith.addf %add3A_909, %mul3A_940 : vector<16xf32>
      %get3A_942 = arith.index_cast %add3A_697 : i32 to index
      %get3A_943 = arith.constant 112 : index
      %get3A_944 = tpu.vector_load %arg9[%get3A_942, %get3A_943] {strides = array<i32>} : memref<192x128xf32, #tpu.memory_space<vmem>>, vector<16xf32>,
      %get3A_945 = arith.index_cast %add3A_697 : i32 to index
      %get3A_946 = arith.constant 112 : index
      %get3A_947 = tpu.vector_load %arg10[%get3A_945, %get3A_946] {strides = array<i32>} : memref<192x128xf32, #tpu.memory_space<vmem>>, vector<16xf32>,
      %mul3A_948 = arith.mulf %get3A_944, %get3A_947 : vector<16xf32>
      %add3A_949 = arith.addf %add3A_917, %mul3A_948 : vector<16xf32>
      %add3A_950 = arith.constant 0 : i32
      %add3A_951 = arith.addi %mul3A_685, %add3A_950 : i32
      %mul3A_952 = arith.constant 17 : i32
      %mul3A_953 = arith.muli %add3A_951, %mul3A_952 : i32
      %add3A_954 = arith.addi %mul3A_91, %mul3A_953 : i32
      %swap3A_955 = arith.index_cast %add3A_954 : i32 to index
      %swap3A_956 = tpu.vector_load %arg11[%swap3A_955] {strides = array<i32>} : memref<544xf32, #tpu.memory_space<vmem>>, vector<16xf32>,
      tpu.vector_store %arg11[%swap3A_955], %add3A_925 {strides = array<i32>} : memref<544xf32, #tpu.memory_space<vmem>>, vector<16xf32>,
      %add3A_957 = arith.constant 1 : i32
      %add3A_958 = arith.addi %mul3A_685, %add3A_957 : i32
      %mul3A_959 = arith.constant 17 : i32
      %mul3A_960 = arith.muli %add3A_958, %mul3A_959 : i32
      %add3A_961 = arith.addi %mul3A_91, %mul3A_960 : i32
      %swap3A_962 = arith.index_cast %add3A_961 : i32 to index
      %swap3A_963 = tpu.vector_load %arg11[%swap3A_962] {strides = array<i32>} : memref<544xf32, #tpu.memory_space<vmem>>, vector<16xf32>,
      tpu.vector_store %arg11[%swap3A_962], %add3A_933 {strides = array<i32>} : memref<544xf32, #tpu.memory_space<vmem>>, vector<16xf32>,
      %add3A_964 = arith.constant 2 : i32
      %add3A_965 = arith.addi %mul3A_685, %add3A_964 : i32
      %mul3A_966 = arith.constant 17 : i32
      %mul3A_967 = arith.muli %add3A_965, %mul3A_966 : i32
      %add3A_968 = arith.addi %mul3A_91, %mul3A_967 : i32
      %swap3A_969 = arith.index_cast %add3A_968 : i32 to index
      %swap3A_970 = tpu.vector_load %arg11[%swap3A_969] {strides = array<i32>} : memref<544xf32, #tpu.memory_space<vmem>>, vector<16xf32>,
      tpu.vector_store %arg11[%swap3A_969], %add3A_941 {strides = array<i32>} : memref<544xf32, #tpu.memory_space<vmem>>, vector<16xf32>,
      %add3A_971 = arith.constant 3 : i32
      %add3A_972 = arith.addi %mul3A_685, %add3A_971 : i32
      %mul3A_973 = arith.constant 17 : i32
      %mul3A_974 = arith.muli %add3A_972, %mul3A_973 : i32
      %add3A_975 = arith.addi %mul3A_91, %mul3A_974 : i32
      %swap3A_976 = arith.index_cast %add3A_975 : i32 to index
      %swap3A_977 = tpu.vector_load %arg11[%swap3A_976] {strides = array<i32>} : memref<544xf32, #tpu.memory_space<vmem>>, vector<16xf32>,
      tpu.vector_store %arg11[%swap3A_976], %add3A_949 {strides = array<i32>} : memref<544xf32, #tpu.memory_space<vmem>>, vector<16xf32>,
      %scan3A_978 = arith.constant 0 : i32
      %scan3A_979 = arith.constant 3 : i32
      %mul3A_980 = arith.constant 4 : i32
      %mul3A_981 = arith.muli %scan3A_979, %mul3A_980 : i32
      %add3A_982 = arith.addi %add3A_87, %mul3A_981 : i32
      %add3A_983 = arith.constant 0 : i32
      %add3A_984 = arith.addi %add3A_982, %add3A_983 : i32
      %add3A_985 = arith.addi %add3A_87, %mul3A_981 : i32
      %add3A_986 = arith.constant 1 : i32
      %add3A_987 = arith.addi %add3A_985, %add3A_986 : i32
      %add3A_988 = arith.addi %add3A_87, %mul3A_981 : i32
      %add3A_989 = arith.constant 2 : i32
      %add3A_990 = arith.addi %add3A_988, %add3A_989 : i32
      %add3A_991 = arith.addi %add3A_87, %mul3A_981 : i32
      %add3A_992 = arith.constant 3 : i32
      %add3A_993 = arith.addi %add3A_991, %add3A_992 : i32
      %get3A_994 = arith.index_cast %add3A_984 : i32 to index
      %get3A_995 = arith.constant 0 : index
      %get3A_996 = tpu.vector_load %arg9[%get3A_994, %get3A_995] {strides = array<i32>} : memref<192x128xf32, #tpu.memory_space<vmem>>, vector<16xf32>,
      %get3A_997 = arith.index_cast %add3A_984 : i32 to index
      %get3A_998 = arith.constant 0 : index
      %get3A_999 = tpu.vector_load %arg10[%get3A_997, %get3A_998] {strides = array<i32>} : memref<192x128xf32, #tpu.memory_space<vmem>>, vector<16xf32>,
      %mul3A_1000 = arith.mulf %get3A_996, %get3A_999 : vector<16xf32>
      %get3A_1001 = arith.index_cast %add3A_987 : i32 to index
      %get3A_1002 = arith.constant 0 : index
      %get3A_1003 = tpu.vector_load %arg9[%get3A_1001, %get3A_1002] {strides = array<i32>} : memref<192x128xf32, #tpu.memory_space<vmem>>, vector<16xf32>,
      %get3A_1004 = arith.index_cast %add3A_987 : i32 to index
      %get3A_1005 = arith.constant 0 : index
      %get3A_1006 = tpu.vector_load %arg10[%get3A_1004, %get3A_1005] {strides = array<i32>} : memref<192x128xf32, #tpu.memory_space<vmem>>, vector<16xf32>,
      %mul3A_1007 = arith.mulf %get3A_1003, %get3A_1006 : vector<16xf32>
      %get3A_1008 = arith.index_cast %add3A_990 : i32 to index
      %get3A_1009 = arith.constant 0 : index
      %get3A_1010 = tpu.vector_load %arg9[%get3A_1008, %get3A_1009] {strides = array<i32>} : memref<192x128xf32, #tpu.memory_space<vmem>>, vector<16xf32>,
      %get3A_1011 = arith.index_cast %add3A_990 : i32 to index
      %get3A_1012 = arith.constant 0 : index
      %get3A_1013 = tpu.vector_load %arg10[%get3A_1011, %get3A_1012] {strides = array<i32>} : memref<192x128xf32, #tpu.memory_space<vmem>>, vector<16xf32>,
      %mul3A_1014 = arith.mulf %get3A_1010, %get3A_1013 : vector<16xf32>
      %get3A_1015 = arith.index_cast %add3A_993 : i32 to index
      %get3A_1016 = arith.constant 0 : index
      %get3A_1017 = tpu.vector_load %arg9[%get3A_1015, %get3A_1016] {strides = array<i32>} : memref<192x128xf32, #tpu.memory_space<vmem>>, vector<16xf32>,
      %get3A_1018 = arith.index_cast %add3A_993 : i32 to index
      %get3A_1019 = arith.constant 0 : index
      %get3A_1020 = tpu.vector_load %arg10[%get3A_1018, %get3A_1019] {strides = array<i32>} : memref<192x128xf32, #tpu.memory_space<vmem>>, vector<16xf32>,
      %mul3A_1021 = arith.mulf %get3A_1017, %get3A_1020 : vector<16xf32>
      %get3A_1022 = arith.index_cast %add3A_984 : i32 to index
      %get3A_1023 = arith.constant 16 : index
      %get3A_1024 = tpu.vector_load %arg9[%get3A_1022, %get3A_1023] {strides = array<i32>} : memref<192x128xf32, #tpu.memory_space<vmem>>, vector<16xf32>,
      %get3A_1025 = arith.index_cast %add3A_984 : i32 to index
      %get3A_1026 = arith.constant 16 : index
      %get3A_1027 = tpu.vector_load %arg10[%get3A_1025, %get3A_1026] {strides = array<i32>} : memref<192x128xf32, #tpu.memory_space<vmem>>, vector<16xf32>,
      %mul3A_1028 = arith.mulf %get3A_1024, %get3A_1027 : vector<16xf32>
      %add3A_1029 = arith.addf %mul3A_1000, %mul3A_1028 : vector<16xf32>
      %get3A_1030 = arith.index_cast %add3A_987 : i32 to index
      %get3A_1031 = arith.constant 16 : index
      %get3A_1032 = tpu.vector_load %arg9[%get3A_1030, %get3A_1031] {strides = array<i32>} : memref<192x128xf32, #tpu.memory_space<vmem>>, vector<16xf32>,
      %get3A_1033 = arith.index_cast %add3A_987 : i32 to index
      %get3A_1034 = arith.constant 16 : index
      %get3A_1035 = tpu.vector_load %arg10[%get3A_1033, %get3A_1034] {strides = array<i32>} : memref<192x128xf32, #tpu.memory_space<vmem>>, vector<16xf32>,
      %mul3A_1036 = arith.mulf %get3A_1032, %get3A_1035 : vector<16xf32>
      %add3A_1037 = arith.addf %mul3A_1007, %mul3A_1036 : vector<16xf32>
      %get3A_1038 = arith.index_cast %add3A_990 : i32 to index
      %get3A_1039 = arith.constant 16 : index
      %get3A_1040 = tpu.vector_load %arg9[%get3A_1038, %get3A_1039] {strides = array<i32>} : memref<192x128xf32, #tpu.memory_space<vmem>>, vector<16xf32>,
      %get3A_1041 = arith.index_cast %add3A_990 : i32 to index
      %get3A_1042 = arith.constant 16 : index
      %get3A_1043 = tpu.vector_load %arg10[%get3A_1041, %get3A_1042] {strides = array<i32>} : memref<192x128xf32, #tpu.memory_space<vmem>>, vector<16xf32>,
      %mul3A_1044 = arith.mulf %get3A_1040, %get3A_1043 : vector<16xf32>
      %add3A_1045 = arith.addf %mul3A_1014, %mul3A_1044 : vector<16xf32>
      %get3A_1046 = arith.index_cast %add3A_993 : i32 to index
      %get3A_1047 = arith.constant 16 : index
      %get3A_1048 = tpu.vector_load %arg9[%get3A_1046, %get3A_1047] {strides = array<i32>} : memref<192x128xf32, #tpu.memory_space<vmem>>, vector<16xf32>,
      %get3A_1049 = arith.index_cast %add3A_993 : i32 to index
      %get3A_1050 = arith.constant 16 : index
      %get3A_1051 = tpu.vector_load %arg10[%get3A_1049, %get3A_1050] {strides = array<i32>} : memref<192x128xf32, #tpu.memory_space<vmem>>, vector<16xf32>,
      %mul3A_1052 = arith.mulf %get3A_1048, %get3A_1051 : vector<16xf32>
      %add3A_1053 = arith.addf %mul3A_1021, %mul3A_1052 : vector<16xf32>
      %get3A_1054 = arith.index_cast %add3A_984 : i32 to index
      %get3A_1055 = arith.constant 32 : index
      %get3A_1056 = tpu.vector_load %arg9[%get3A_1054, %get3A_1055] {strides = array<i32>} : memref<192x128xf32, #tpu.memory_space<vmem>>, vector<16xf32>,
      %get3A_1057 = arith.index_cast %add3A_984 : i32 to index
      %get3A_1058 = arith.constant 32 : index
      %get3A_1059 = tpu.vector_load %arg10[%get3A_1057, %get3A_1058] {strides = array<i32>} : memref<192x128xf32, #tpu.memory_space<vmem>>, vector<16xf32>,
      %mul3A_1060 = arith.mulf %get3A_1056, %get3A_1059 : vector<16xf32>
      %add3A_1061 = arith.addf %add3A_1029, %mul3A_1060 : vector<16xf32>
      %get3A_1062 = arith.index_cast %add3A_987 : i32 to index
      %get3A_1063 = arith.constant 32 : index
      %get3A_1064 = tpu.vector_load %arg9[%get3A_1062, %get3A_1063] {strides = array<i32>} : memref<192x128xf32, #tpu.memory_space<vmem>>, vector<16xf32>,
      %get3A_1065 = arith.index_cast %add3A_987 : i32 to index
      %get3A_1066 = arith.constant 32 : index
      %get3A_1067 = tpu.vector_load %arg10[%get3A_1065, %get3A_1066] {strides = array<i32>} : memref<192x128xf32, #tpu.memory_space<vmem>>, vector<16xf32>,
      %mul3A_1068 = arith.mulf %get3A_1064, %get3A_1067 : vector<16xf32>
      %add3A_1069 = arith.addf %add3A_1037, %mul3A_1068 : vector<16xf32>
      %get3A_1070 = arith.index_cast %add3A_990 : i32 to index
      %get3A_1071 = arith.constant 32 : index
      %get3A_1072 = tpu.vector_load %arg9[%get3A_1070, %get3A_1071] {strides = array<i32>} : memref<192x128xf32, #tpu.memory_space<vmem>>, vector<16xf32>,
      %get3A_1073 = arith.index_cast %add3A_990 : i32 to index
      %get3A_1074 = arith.constant 32 : index
      %get3A_1075 = tpu.vector_load %arg10[%get3A_1073, %get3A_1074] {strides = array<i32>} : memref<192x128xf32, #tpu.memory_space<vmem>>, vector<16xf32>,
      %mul3A_1076 = arith.mulf %get3A_1072, %get3A_1075 : vector<16xf32>
      %add3A_1077 = arith.addf %add3A_1045, %mul3A_1076 : vector<16xf32>
      %get3A_1078 = arith.index_cast %add3A_993 : i32 to index
      %get3A_1079 = arith.constant 32 : index
      %get3A_1080 = tpu.vector_load %arg9[%get3A_1078, %get3A_1079] {strides = array<i32>} : memref<192x128xf32, #tpu.memory_space<vmem>>, vector<16xf32>,
      %get3A_1081 = arith.index_cast %add3A_993 : i32 to index
      %get3A_1082 = arith.constant 32 : index
      %get3A_1083 = tpu.vector_load %arg10[%get3A_1081, %get3A_1082] {strides = array<i32>} : memref<192x128xf32, #tpu.memory_space<vmem>>, vector<16xf32>,
      %mul3A_1084 = arith.mulf %get3A_1080, %get3A_1083 : vector<16xf32>
      %add3A_1085 = arith.addf %add3A_1053, %mul3A_1084 : vector<16xf32>
      %get3A_1086 = arith.index_cast %add3A_984 : i32 to index
      %get3A_1087 = arith.constant 48 : index
      %get3A_1088 = tpu.vector_load %arg9[%get3A_1086, %get3A_1087] {strides = array<i32>} : memref<192x128xf32, #tpu.memory_space<vmem>>, vector<16xf32>,
      %get3A_1089 = arith.index_cast %add3A_984 : i32 to index
      %get3A_1090 = arith.constant 48 : index
      %get3A_1091 = tpu.vector_load %arg10[%get3A_1089, %get3A_1090] {strides = array<i32>} : memref<192x128xf32, #tpu.memory_space<vmem>>, vector<16xf32>,
      %mul3A_1092 = arith.mulf %get3A_1088, %get3A_1091 : vector<16xf32>
      %add3A_1093 = arith.addf %add3A_1061, %mul3A_1092 : vector<16xf32>
      %get3A_1094 = arith.index_cast %add3A_987 : i32 to index
      %get3A_1095 = arith.constant 48 : index
      %get3A_1096 = tpu.vector_load %arg9[%get3A_1094, %get3A_1095] {strides = array<i32>} : memref<192x128xf32, #tpu.memory_space<vmem>>, vector<16xf32>,
      %get3A_1097 = arith.index_cast %add3A_987 : i32 to index
      %get3A_1098 = arith.constant 48 : index
      %get3A_1099 = tpu.vector_load %arg10[%get3A_1097, %get3A_1098] {strides = array<i32>} : memref<192x128xf32, #tpu.memory_space<vmem>>, vector<16xf32>,
      %mul3A_1100 = arith.mulf %get3A_1096, %get3A_1099 : vector<16xf32>
      %add3A_1101 = arith.addf %add3A_1069, %mul3A_1100 : vector<16xf32>
      %get3A_1102 = arith.index_cast %add3A_990 : i32 to index
      %get3A_1103 = arith.constant 48 : index
      %get3A_1104 = tpu.vector_load %arg9[%get3A_1102, %get3A_1103] {strides = array<i32>} : memref<192x128xf32, #tpu.memory_space<vmem>>, vector<16xf32>,
      %get3A_1105 = arith.index_cast %add3A_990 : i32 to index
      %get3A_1106 = arith.constant 48 : index
      %get3A_1107 = tpu.vector_load %arg10[%get3A_1105, %get3A_1106] {strides = array<i32>} : memref<192x128xf32, #tpu.memory_space<vmem>>, vector<16xf32>,
      %mul3A_1108 = arith.mulf %get3A_1104, %get3A_1107 : vector<16xf32>
      %add3A_1109 = arith.addf %add3A_1077, %mul3A_1108 : vector<16xf32>
      %get3A_1110 = arith.index_cast %add3A_993 : i32 to index
      %get3A_1111 = arith.constant 48 : index
      %get3A_1112 = tpu.vector_load %arg9[%get3A_1110, %get3A_1111] {strides = array<i32>} : memref<192x128xf32, #tpu.memory_space<vmem>>, vector<16xf32>,
      %get3A_1113 = arith.index_cast %add3A_993 : i32 to index
      %get3A_1114 = arith.constant 48 : index
      %get3A_1115 = tpu.vector_load %arg10[%get3A_1113, %get3A_1114] {strides = array<i32>} : memref<192x128xf32, #tpu.memory_space<vmem>>, vector<16xf32>,
      %mul3A_1116 = arith.mulf %get3A_1112, %get3A_1115 : vector<16xf32>
      %add3A_1117 = arith.addf %add3A_1085, %mul3A_1116 : vector<16xf32>
      %get3A_1118 = arith.index_cast %add3A_984 : i32 to index
      %get3A_1119 = arith.constant 64 : index
      %get3A_1120 = tpu.vector_load %arg9[%get3A_1118, %get3A_1119] {strides = array<i32>} : memref<192x128xf32, #tpu.memory_space<vmem>>, vector<16xf32>,
      %get3A_1121 = arith.index_cast %add3A_984 : i32 to index
      %get3A_1122 = arith.constant 64 : index
      %get3A_1123 = tpu.vector_load %arg10[%get3A_1121, %get3A_1122] {strides = array<i32>} : memref<192x128xf32, #tpu.memory_space<vmem>>, vector<16xf32>,
      %mul3A_1124 = arith.mulf %get3A_1120, %get3A_1123 : vector<16xf32>
      %add3A_1125 = arith.addf %add3A_1093, %mul3A_1124 : vector<16xf32>
      %get3A_1126 = arith.index_cast %add3A_987 : i32 to index
      %get3A_1127 = arith.constant 64 : index
      %get3A_1128 = tpu.vector_load %arg9[%get3A_1126, %get3A_1127] {strides = array<i32>} : memref<192x128xf32, #tpu.memory_space<vmem>>, vector<16xf32>,
      %get3A_1129 = arith.index_cast %add3A_987 : i32 to index
      %get3A_1130 = arith.constant 64 : index
      %get3A_1131 = tpu.vector_load %arg10[%get3A_1129, %get3A_1130] {strides = array<i32>} : memref<192x128xf32, #tpu.memory_space<vmem>>, vector<16xf32>,
      %mul3A_1132 = arith.mulf %get3A_1128, %get3A_1131 : vector<16xf32>
      %add3A_1133 = arith.addf %add3A_1101, %mul3A_1132 : vector<16xf32>
      %get3A_1134 = arith.index_cast %add3A_990 : i32 to index
      %get3A_1135 = arith.constant 64 : index
      %get3A_1136 = tpu.vector_load %arg9[%get3A_1134, %get3A_1135] {strides = array<i32>} : memref<192x128xf32, #tpu.memory_space<vmem>>, vector<16xf32>,
      %get3A_1137 = arith.index_cast %add3A_990 : i32 to index
      %get3A_1138 = arith.constant 64 : index
      %get3A_1139 = tpu.vector_load %arg10[%get3A_1137, %get3A_1138] {strides = array<i32>} : memref<192x128xf32, #tpu.memory_space<vmem>>, vector<16xf32>,
      %mul3A_1140 = arith.mulf %get3A_1136, %get3A_1139 : vector<16xf32>
      %add3A_1141 = arith.addf %add3A_1109, %mul3A_1140 : vector<16xf32>
      %get3A_1142 = arith.index_cast %add3A_993 : i32 to index
      %get3A_1143 = arith.constant 64 : index
      %get3A_1144 = tpu.vector_load %arg9[%get3A_1142, %get3A_1143] {strides = array<i32>} : memref<192x128xf32, #tpu.memory_space<vmem>>, vector<16xf32>,
      %get3A_1145 = arith.index_cast %add3A_993 : i32 to index
      %get3A_1146 = arith.constant 64 : index
      %get3A_1147 = tpu.vector_load %arg10[%get3A_1145, %get3A_1146] {strides = array<i32>} : memref<192x128xf32, #tpu.memory_space<vmem>>, vector<16xf32>,
      %mul3A_1148 = arith.mulf %get3A_1144, %get3A_1147 : vector<16xf32>
      %add3A_1149 = arith.addf %add3A_1117, %mul3A_1148 : vector<16xf32>
      %get3A_1150 = arith.index_cast %add3A_984 : i32 to index
      %get3A_1151 = arith.constant 80 : index
      %get3A_1152 = tpu.vector_load %arg9[%get3A_1150, %get3A_1151] {strides = array<i32>} : memref<192x128xf32, #tpu.memory_space<vmem>>, vector<16xf32>,
      %get3A_1153 = arith.index_cast %add3A_984 : i32 to index
      %get3A_1154 = arith.constant 80 : index
      %get3A_1155 = tpu.vector_load %arg10[%get3A_1153, %get3A_1154] {strides = array<i32>} : memref<192x128xf32, #tpu.memory_space<vmem>>, vector<16xf32>,
      %mul3A_1156 = arith.mulf %get3A_1152, %get3A_1155 : vector<16xf32>
      %add3A_1157 = arith.addf %add3A_1125, %mul3A_1156 : vector<16xf32>
      %get3A_1158 = arith.index_cast %add3A_987 : i32 to index
      %get3A_1159 = arith.constant 80 : index
      %get3A_1160 = tpu.vector_load %arg9[%get3A_1158, %get3A_1159] {strides = array<i32>} : memref<192x128xf32, #tpu.memory_space<vmem>>, vector<16xf32>,
      %get3A_1161 = arith.index_cast %add3A_987 : i32 to index
      %get3A_1162 = arith.constant 80 : index
      %get3A_1163 = tpu.vector_load %arg10[%get3A_1161, %get3A_1162] {strides = array<i32>} : memref<192x128xf32, #tpu.memory_space<vmem>>, vector<16xf32>,
      %mul3A_1164 = arith.mulf %get3A_1160, %get3A_1163 : vector<16xf32>
      %add3A_1165 = arith.addf %add3A_1133, %mul3A_1164 : vector<16xf32>
      %get3A_1166 = arith.index_cast %add3A_990 : i32 to index
      %get3A_1167 = arith.constant 80 : index
      %get3A_1168 = tpu.vector_load %arg9[%get3A_1166, %get3A_1167] {strides = array<i32>} : memref<192x128xf32, #tpu.memory_space<vmem>>, vector<16xf32>,
      %get3A_1169 = arith.index_cast %add3A_990 : i32 to index
      %get3A_1170 = arith.constant 80 : index
      %get3A_1171 = tpu.vector_load %arg10[%get3A_1169, %get3A_1170] {strides = array<i32>} : memref<192x128xf32, #tpu.memory_space<vmem>>, vector<16xf32>,
      %mul3A_1172 = arith.mulf %get3A_1168, %get3A_1171 : vector<16xf32>
      %add3A_1173 = arith.addf %add3A_1141, %mul3A_1172 : vector<16xf32>
      %get3A_1174 = arith.index_cast %add3A_993 : i32 to index
      %get3A_1175 = arith.constant 80 : index
      %get3A_1176 = tpu.vector_load %arg9[%get3A_1174, %get3A_1175] {strides = array<i32>} : memref<192x128xf32, #tpu.memory_space<vmem>>, vector<16xf32>,
      %get3A_1177 = arith.index_cast %add3A_993 : i32 to index
      %get3A_1178 = arith.constant 80 : index
      %get3A_1179 = tpu.vector_load %arg10[%get3A_1177, %get3A_1178] {strides = array<i32>} : memref<192x128xf32, #tpu.memory_space<vmem>>, vector<16xf32>,
      %mul3A_1180 = arith.mulf %get3A_1176, %get3A_1179 : vector<16xf32>
      %add3A_1181 = arith.addf %add3A_1149, %mul3A_1180 : vector<16xf32>
      %get3A_1182 = arith.index_cast %add3A_984 : i32 to index
      %get3A_1183 = arith.constant 96 : index
      %get3A_1184 = tpu.vector_load %arg9[%get3A_1182, %get3A_1183] {strides = array<i32>} : memref<192x128xf32, #tpu.memory_space<vmem>>, vector<16xf32>,
      %get3A_1185 = arith.index_cast %add3A_984 : i32 to index
      %get3A_1186 = arith.constant 96 : index
      %get3A_1187 = tpu.vector_load %arg10[%get3A_1185, %get3A_1186] {strides = array<i32>} : memref<192x128xf32, #tpu.memory_space<vmem>>, vector<16xf32>,
      %mul3A_1188 = arith.mulf %get3A_1184, %get3A_1187 : vector<16xf32>
      %add3A_1189 = arith.addf %add3A_1157, %mul3A_1188 : vector<16xf32>
      %get3A_1190 = arith.index_cast %add3A_987 : i32 to index
      %get3A_1191 = arith.constant 96 : index
      %get3A_1192 = tpu.vector_load %arg9[%get3A_1190, %get3A_1191] {strides = array<i32>} : memref<192x128xf32, #tpu.memory_space<vmem>>, vector<16xf32>,
      %get3A_1193 = arith.index_cast %add3A_987 : i32 to index
      %get3A_1194 = arith.constant 96 : index
      %get3A_1195 = tpu.vector_load %arg10[%get3A_1193, %get3A_1194] {strides = array<i32>} : memref<192x128xf32, #tpu.memory_space<vmem>>, vector<16xf32>,
      %mul3A_1196 = arith.mulf %get3A_1192, %get3A_1195 : vector<16xf32>
      %add3A_1197 = arith.addf %add3A_1165, %mul3A_1196 : vector<16xf32>
      %get3A_1198 = arith.index_cast %add3A_990 : i32 to index
      %get3A_1199 = arith.constant 96 : index
      %get3A_1200 = tpu.vector_load %arg9[%get3A_1198, %get3A_1199] {strides = array<i32>} : memref<192x128xf32, #tpu.memory_space<vmem>>, vector<16xf32>,
      %get3A_1201 = arith.index_cast %add3A_990 : i32 to index
      %get3A_1202 = arith.constant 96 : index
      %get3A_1203 = tpu.vector_load %arg10[%get3A_1201, %get3A_1202] {strides = array<i32>} : memref<192x128xf32, #tpu.memory_space<vmem>>, vector<16xf32>,
      %mul3A_1204 = arith.mulf %get3A_1200, %get3A_1203 : vector<16xf32>
      %add3A_1205 = arith.addf %add3A_1173, %mul3A_1204 : vector<16xf32>
      %get3A_1206 = arith.index_cast %add3A_993 : i32 to index
      %get3A_1207 = arith.constant 96 : index
      %get3A_1208 = tpu.vector_load %arg9[%get3A_1206, %get3A_1207] {strides = array<i32>} : memref<192x128xf32, #tpu.memory_space<vmem>>, vector<16xf32>,
      %get3A_1209 = arith.index_cast %add3A_993 : i32 to index
      %get3A_1210 = arith.constant 96 : index
      %get3A_1211 = tpu.vector_load %arg10[%get3A_1209, %get3A_1210] {strides = array<i32>} : memref<192x128xf32, #tpu.memory_space<vmem>>, vector<16xf32>,
      %mul3A_1212 = arith.mulf %get3A_1208, %get3A_1211 : vector<16xf32>
      %add3A_1213 = arith.addf %add3A_1181, %mul3A_1212 : vector<16xf32>
      %get3A_1214 = arith.index_cast %add3A_984 : i32 to index
      %get3A_1215 = arith.constant 112 : index
      %get3A_1216 = tpu.vector_load %arg9[%get3A_1214, %get3A_1215] {strides = array<i32>} : memref<192x128xf32, #tpu.memory_space<vmem>>, vector<16xf32>,
      %get3A_1217 = arith.index_cast %add3A_984 : i32 to index
      %get3A_1218 = arith.constant 112 : index
      %get3A_1219 = tpu.vector_load %arg10[%get3A_1217, %get3A_1218] {strides = array<i32>} : memref<192x128xf32, #tpu.memory_space<vmem>>, vector<16xf32>,
      %mul3A_1220 = arith.mulf %get3A_1216, %get3A_1219 : vector<16xf32>
      %add3A_1221 = arith.addf %add3A_1189, %mul3A_1220 : vector<16xf32>
      %get3A_1222 = arith.index_cast %add3A_987 : i32 to index
      %get3A_1223 = arith.constant 112 : index
      %get3A_1224 = tpu.vector_load %arg9[%get3A_1222, %get3A_1223] {strides = array<i32>} : memref<192x128xf32, #tpu.memory_space<vmem>>, vector<16xf32>,
      %get3A_1225 = arith.index_cast %add3A_987 : i32 to index
      %get3A_1226 = arith.constant 112 : index
      %get3A_1227 = tpu.vector_load %arg10[%get3A_1225, %get3A_1226] {strides = array<i32>} : memref<192x128xf32, #tpu.memory_space<vmem>>, vector<16xf32>,
      %mul3A_1228 = arith.mulf %get3A_1224, %get3A_1227 : vector<16xf32>
      %add3A_1229 = arith.addf %add3A_1197, %mul3A_1228 : vector<16xf32>
      %get3A_1230 = arith.index_cast %add3A_990 : i32 to index
      %get3A_1231 = arith.constant 112 : index
      %get3A_1232 = tpu.vector_load %arg9[%get3A_1230, %get3A_1231] {strides = array<i32>} : memref<192x128xf32, #tpu.memory_space<vmem>>, vector<16xf32>,
      %get3A_1233 = arith.index_cast %add3A_990 : i32 to index
      %get3A_1234 = arith.constant 112 : index
      %get3A_1235 = tpu.vector_load %arg10[%get3A_1233, %get3A_1234] {strides = array<i32>} : memref<192x128xf32, #tpu.memory_space<vmem>>, vector<16xf32>,
      %mul3A_1236 = arith.mulf %get3A_1232, %get3A_1235 : vector<16xf32>
      %add3A_1237 = arith.addf %add3A_1205, %mul3A_1236 : vector<16xf32>
      %get3A_1238 = arith.index_cast %add3A_993 : i32 to index
      %get3A_1239 = arith.constant 112 : index
      %get3A_1240 = tpu.vector_load %arg9[%get3A_1238, %get3A_1239] {strides = array<i32>} : memref<192x128xf32, #tpu.memory_space<vmem>>, vector<16xf32>,
      %get3A_1241 = arith.index_cast %add3A_993 : i32 to index
      %get3A_1242 = arith.constant 112 : index
      %get3A_1243 = tpu.vector_load %arg10[%get3A_1241, %get3A_1242] {strides = array<i32>} : memref<192x128xf32, #tpu.memory_space<vmem>>, vector<16xf32>,
      %mul3A_1244 = arith.mulf %get3A_1240, %get3A_1243 : vector<16xf32>
      %add3A_1245 = arith.addf %add3A_1213, %mul3A_1244 : vector<16xf32>
      %add3A_1246 = arith.constant 0 : i32
      %add3A_1247 = arith.addi %mul3A_981, %add3A_1246 : i32
      %mul3A_1248 = arith.constant 17 : i32
      %mul3A_1249 = arith.muli %add3A_1247, %mul3A_1248 : i32
      %add3A_1250 = arith.addi %mul3A_91, %mul3A_1249 : i32
      %swap3A_1251 = arith.index_cast %add3A_1250 : i32 to index
      %swap3A_1252 = tpu.vector_load %arg11[%swap3A_1251] {strides = array<i32>} : memref<544xf32, #tpu.memory_space<vmem>>, vector<16xf32>,
      tpu.vector_store %arg11[%swap3A_1251], %add3A_1221 {strides = array<i32>} : memref<544xf32, #tpu.memory_space<vmem>>, vector<16xf32>,
      %add3A_1253 = arith.constant 1 : i32
      %add3A_1254 = arith.addi %mul3A_981, %add3A_1253 : i32
      %mul3A_1255 = arith.constant 17 : i32
      %mul3A_1256 = arith.muli %add3A_1254, %mul3A_1255 : i32
      %add3A_1257 = arith.addi %mul3A_91, %mul3A_1256 : i32
      %swap3A_1258 = arith.index_cast %add3A_1257 : i32 to index
      %swap3A_1259 = tpu.vector_load %arg11[%swap3A_1258] {strides = array<i32>} : memref<544xf32, #tpu.memory_space<vmem>>, vector<16xf32>,
      tpu.vector_store %arg11[%swap3A_1258], %add3A_1229 {strides = array<i32>} : memref<544xf32, #tpu.memory_space<vmem>>, vector<16xf32>,
      %add3A_1260 = arith.constant 2 : i32
      %add3A_1261 = arith.addi %mul3A_981, %add3A_1260 : i32
      %mul3A_1262 = arith.constant 17 : i32
      %mul3A_1263 = arith.muli %add3A_1261, %mul3A_1262 : i32
      %add3A_1264 = arith.addi %mul3A_91, %mul3A_1263 : i32
      %swap3A_1265 = arith.index_cast %add3A_1264 : i32 to index
      %swap3A_1266 = tpu.vector_load %arg11[%swap3A_1265] {strides = array<i32>} : memref<544xf32, #tpu.memory_space<vmem>>, vector<16xf32>,
      tpu.vector_store %arg11[%swap3A_1265], %add3A_1237 {strides = array<i32>} : memref<544xf32, #tpu.memory_space<vmem>>, vector<16xf32>,
      %add3A_1267 = arith.constant 3 : i32
      %add3A_1268 = arith.addi %mul3A_981, %add3A_1267 : i32
      %mul3A_1269 = arith.constant 17 : i32
      %mul3A_1270 = arith.muli %add3A_1268, %mul3A_1269 : i32
      %add3A_1271 = arith.addi %mul3A_91, %mul3A_1270 : i32
      %swap3A_1272 = arith.index_cast %add3A_1271 : i32 to index
      %swap3A_1273 = tpu.vector_load %arg11[%swap3A_1272] {strides = array<i32>} : memref<544xf32, #tpu.memory_space<vmem>>, vector<16xf32>,
      tpu.vector_store %arg11[%swap3A_1272], %add3A_1245 {strides = array<i32>} : memref<544xf32, #tpu.memory_space<vmem>>, vector<16xf32>,
      %scan3A_1274 = arith.constant 0 : i32
      %scan3A_1275 = arith.constant 4 : i32
      %mul3A_1276 = arith.constant 17 : i32
      %mul3A_1277 = vector.broadcast %mul3A_1276 : i32 to vector<16xi32>
      %mul3A_1278 = arith.muli %iota3A, %mul3A_1277 : vector<16xi32>
      %add3A_1279 = vector.broadcast %mul3A_91 : i32 to vector<16xi32>
      %add3A_1280 = arith.addi %mul3A_1278, %add3A_1279 : vector<16xi32>
      %gather3A = tpu.vector_load_idx %arg11[%add3A_1280] : memref<544xf32, #tpu.memory_space<vmem>>[vector<16xi32>], vector<16xf32>,
      %add3A_1281 = arith.constant 1 : i32
      %add3A_1282 = vector.broadcast %add3A_1281 : i32 to vector<16xi32>
      %add3A_1283 = arith.addi %add3A_1280, %add3A_1282 : vector<16xi32>
      %gather3A_1284 = tpu.vector_load_idx %arg11[%add3A_1283] : memref<544xf32, #tpu.memory_space<vmem>>[vector<16xi32>], vector<16xf32>,
      %add3A_1285 = arith.constant 2 : i32
      %add3A_1286 = vector.broadcast %add3A_1285 : i32 to vector<16xi32>
      %add3A_1287 = arith.addi %add3A_1280, %add3A_1286 : vector<16xi32>
      %gather3A_1288 = tpu.vector_load_idx %arg11[%add3A_1287] : memref<544xf32, #tpu.memory_space<vmem>>[vector<16xi32>], vector<16xf32>,
      %add3A_1289 = arith.addf %gather3A, %gather3A_1288 : vector<16xf32>
      %add3A_1290 = arith.constant 2 : i32
      %add3A_1291 = vector.broadcast %add3A_1290 : i32 to vector<16xi32>
      %add3A_1292 = arith.addi %add3A_1280, %add3A_1291 : vector<16xi32>
      %add3A_1293 = arith.constant 1 : i32
      %add3A_1294 = vector.broadcast %add3A_1293 : i32 to vector<16xi32>
      %add3A_1295 = arith.addi %add3A_1292, %add3A_1294 : vector<16xi32>
      %gather3A_1296 = tpu.vector_load_idx %arg11[%add3A_1295] : memref<544xf32, #tpu.memory_space<vmem>>[vector<16xi32>], vector<16xf32>,
      %add3A_1297 = arith.addf %gather3A_1284, %gather3A_1296 : vector<16xf32>
      %add3A_1298 = arith.constant 4 : i32
      %add3A_1299 = vector.broadcast %add3A_1298 : i32 to vector<16xi32>
      %add3A_1300 = arith.addi %add3A_1280, %add3A_1299 : vector<16xi32>
      %gather3A_1301 = tpu.vector_load_idx %arg11[%add3A_1300] : memref<544xf32, #tpu.memory_space<vmem>>[vector<16xi32>], vector<16xf32>,
      %add3A_1302 = arith.addf %add3A_1289, %gather3A_1301 : vector<16xf32>
      %add3A_1303 = arith.constant 4 : i32
      %add3A_1304 = vector.broadcast %add3A_1303 : i32 to vector<16xi32>
      %add3A_1305 = arith.addi %add3A_1280, %add3A_1304 : vector<16xi32>
      %add3A_1306 = arith.constant 1 : i32
      %add3A_1307 = vector.broadcast %add3A_1306 : i32 to vector<16xi32>
      %add3A_1308 = arith.addi %add3A_1305, %add3A_1307 : vector<16xi32>
      %gather3A_1309 = tpu.vector_load_idx %arg11[%add3A_1308] : memref<544xf32, #tpu.memory_space<vmem>>[vector<16xi32>], vector<16xf32>,
      %add3A_1310 = arith.addf %add3A_1297, %gather3A_1309 : vector<16xf32>
      %add3A_1311 = arith.constant 6 : i32
      %add3A_1312 = vector.broadcast %add3A_1311 : i32 to vector<16xi32>
      %add3A_1313 = arith.addi %add3A_1280, %add3A_1312 : vector<16xi32>
      %gather3A_1314 = tpu.vector_load_idx %arg11[%add3A_1313] : memref<544xf32, #tpu.memory_space<vmem>>[vector<16xi32>], vector<16xf32>,
      %add3A_1315 = arith.addf %add3A_1302, %gather3A_1314 : vector<16xf32>
      %add3A_1316 = arith.constant 6 : i32
      %add3A_1317 = vector.broadcast %add3A_1316 : i32 to vector<16xi32>
      %add3A_1318 = arith.addi %add3A_1280, %add3A_1317 : vector<16xi32>
      %add3A_1319 = arith.constant 1 : i32
      %add3A_1320 = vector.broadcast %add3A_1319 : i32 to vector<16xi32>
      %add3A_1321 = arith.addi %add3A_1318, %add3A_1320 : vector<16xi32>
      %gather3A_1322 = tpu.vector_load_idx %arg11[%add3A_1321] : memref<544xf32, #tpu.memory_space<vmem>>[vector<16xi32>], vector<16xf32>,
      %add3A_1323 = arith.addf %add3A_1310, %gather3A_1322 : vector<16xf32>
      %add3A_1324 = arith.constant 8 : i32
      %add3A_1325 = vector.broadcast %add3A_1324 : i32 to vector<16xi32>
      %add3A_1326 = arith.addi %add3A_1280, %add3A_1325 : vector<16xi32>
      %gather3A_1327 = tpu.vector_load_idx %arg11[%add3A_1326] : memref<544xf32, #tpu.memory_space<vmem>>[vector<16xi32>], vector<16xf32>,
      %add3A_1328 = arith.addf %add3A_1315, %gather3A_1327 : vector<16xf32>
      %add3A_1329 = arith.constant 8 : i32
      %add3A_1330 = vector.broadcast %add3A_1329 : i32 to vector<16xi32>
      %add3A_1331 = arith.addi %add3A_1280, %add3A_1330 : vector<16xi32>
      %add3A_1332 = arith.constant 1 : i32
      %add3A_1333 = vector.broadcast %add3A_1332 : i32 to vector<16xi32>
      %add3A_1334 = arith.addi %add3A_1331, %add3A_1333 : vector<16xi32>
      %gather3A_1335 = tpu.vector_load_idx %arg11[%add3A_1334] : memref<544xf32, #tpu.memory_space<vmem>>[vector<16xi32>], vector<16xf32>,
      %add3A_1336 = arith.addf %add3A_1323, %gather3A_1335 : vector<16xf32>
      %add3A_1337 = arith.constant 10 : i32
      %add3A_1338 = vector.broadcast %add3A_1337 : i32 to vector<16xi32>
      %add3A_1339 = arith.addi %add3A_1280, %add3A_1338 : vector<16xi32>
      %gather3A_1340 = tpu.vector_load_idx %arg11[%add3A_1339] : memref<544xf32, #tpu.memory_space<vmem>>[vector<16xi32>], vector<16xf32>,
      %add3A_1341 = arith.addf %add3A_1328, %gather3A_1340 : vector<16xf32>
      %add3A_1342 = arith.constant 10 : i32
      %add3A_1343 = vector.broadcast %add3A_1342 : i32 to vector<16xi32>
      %add3A_1344 = arith.addi %add3A_1280, %add3A_1343 : vector<16xi32>
      %add3A_1345 = arith.constant 1 : i32
      %add3A_1346 = vector.broadcast %add3A_1345 : i32 to vector<16xi32>
      %add3A_1347 = arith.addi %add3A_1344, %add3A_1346 : vector<16xi32>
      %gather3A_1348 = tpu.vector_load_idx %arg11[%add3A_1347] : memref<544xf32, #tpu.memory_space<vmem>>[vector<16xi32>], vector<16xf32>,
      %add3A_1349 = arith.addf %add3A_1336, %gather3A_1348 : vector<16xf32>
      %add3A_1350 = arith.constant 12 : i32
      %add3A_1351 = vector.broadcast %add3A_1350 : i32 to vector<16xi32>
      %add3A_1352 = arith.addi %add3A_1280, %add3A_1351 : vector<16xi32>
      %gather3A_1353 = tpu.vector_load_idx %arg11[%add3A_1352] : memref<544xf32, #tpu.memory_space<vmem>>[vector<16xi32>], vector<16xf32>,
      %add3A_1354 = arith.addf %add3A_1341, %gather3A_1353 : vector<16xf32>
      %add3A_1355 = arith.constant 12 : i32
      %add3A_1356 = vector.broadcast %add3A_1355 : i32 to vector<16xi32>
      %add3A_1357 = arith.addi %add3A_1280, %add3A_1356 : vector<16xi32>
      %add3A_1358 = arith.constant 1 : i32
      %add3A_1359 = vector.broadcast %add3A_1358 : i32 to vector<16xi32>
      %add3A_1360 = arith.addi %add3A_1357, %add3A_1359 : vector<16xi32>
      %gather3A_1361 = tpu.vector_load_idx %arg11[%add3A_1360] : memref<544xf32, #tpu.memory_space<vmem>>[vector<16xi32>], vector<16xf32>,
      %add3A_1362 = arith.addf %add3A_1349, %gather3A_1361 : vector<16xf32>
      %add3A_1363 = arith.constant 14 : i32
      %add3A_1364 = vector.broadcast %add3A_1363 : i32 to vector<16xi32>
      %add3A_1365 = arith.addi %add3A_1280, %add3A_1364 : vector<16xi32>
      %gather3A_1366 = tpu.vector_load_idx %arg11[%add3A_1365] : memref<544xf32, #tpu.memory_space<vmem>>[vector<16xi32>], vector<16xf32>,
      %add3A_1367 = arith.addf %add3A_1354, %gather3A_1366 : vector<16xf32>
      %add3A_1368 = arith.constant 14 : i32
      %add3A_1369 = vector.broadcast %add3A_1368 : i32 to vector<16xi32>
      %add3A_1370 = arith.addi %add3A_1280, %add3A_1369 : vector<16xi32>
      %add3A_1371 = arith.constant 1 : i32
      %add3A_1372 = vector.broadcast %add3A_1371 : i32 to vector<16xi32>
      %add3A_1373 = arith.addi %add3A_1370, %add3A_1372 : vector<16xi32>
      %gather3A_1374 = tpu.vector_load_idx %arg11[%add3A_1373] : memref<544xf32, #tpu.memory_space<vmem>>[vector<16xi32>], vector<16xf32>,
      %add3A_1375 = arith.addf %add3A_1362, %gather3A_1374 : vector<16xf32>
      %add3A_1376 = arith.addf %add3A_1367, %add3A_1375 : vector<16xf32>
      %mul3A_1377 = arith.constant 16 : i32
      %mul3A_1378 = arith.muli %scan3A_40, %mul3A_1377 : i32
      %swap3A_1379 = arith.index_cast %mul3A_1378 : i32 to index
      %swap3A_1380 = tpu.vector_load %arg12[%swap3A_1379] {strides = array<i32>} : memref<512xf32, #tpu.memory_space<vmem>>, vector<16xf32>,
      tpu.vector_store %arg12[%swap3A_1379], %add3A_1376 {strides = array<i32>} : memref<512xf32, #tpu.memory_space<vmem>>, vector<16xf32>,
      %scan3A_1381 = arith.constant 0 : i32
      scf.yield %scan3A_1381 : i32
    }
    %scan3A_39 = arith.constant 32 : i32
    "tpu.region"() ({
      %run_scoped3A = tpu.sem_alloc : memref<!tpu.dma_semaphore, #tpu.memory_space<semaphore_mem>>
      %dma_start3A_40 = tpu.memref_slice %arg6[%mul3A_2] : memref<16384xf32, #tpu.memory_space<hbm>> -> memref<512xf32, #tpu.memory_space<hbm>>
      %dma_start3A_41 = tpu.memref_slice %arg6[%mul3A_2] : memref<16384xf32, #tpu.memory_space<hbm>> -> memref<512xf32, #tpu.memory_space<hbm>>
      tpu.enqueue_dma source(%arg12 : memref<512xf32, #tpu.memory_space<vmem>>) target(%dma_start3A_41 : memref<512xf32, #tpu.memory_space<hbm>>) target_semaphore(%run_scoped3A : memref<!tpu.dma_semaphore, #tpu.memory_space<semaphore_mem>>)
      %dma_wait3A = tpu.memref_slice %arg6[%mul3A_2] : memref<16384xf32, #tpu.memory_space<hbm>> -> memref<512xf32, #tpu.memory_space<hbm>>
      %dma_wait3A_42 = tpu.memref_slice %arg6[%mul3A_2] : memref<16384xf32, #tpu.memory_space<hbm>> -> memref<512xf32, #tpu.memory_space<hbm>>
      tpu.wait_dma2 semaphore(%run_scoped3A : memref<!tpu.dma_semaphore, #tpu.memory_space<semaphore_mem>>) src(%arg12 : memref<512xf32, #tpu.memory_space<vmem>>) dst(%dma_wait3A_42 : memref<512xf32, #tpu.memory_space<hbm>>)
      tpu.yield
    }) : () -> ()
    return
  }
}

</mosaic_0001>

<sc_bundles>
// kernel: kernel.3.cloned.1.call-start
scs
__scs_entry_jumppad:
0x0: {  	(pc) =	sbr.rel $0x88, $3  }
0x1: {  	(tag) =	ssettag $0x0;
	lr =	simm.s32 $0x1  }
0x2: {  	[smem:$0x3F9D] =	sst lr;
	_ =	strace $0xD0000000  }
0x3: {  	_ = 	snop  }
0x4: {  	_ = 	snop  }
0x5: {  	_ = 	snop  }
0x6: {  	_ = 	snop  }
0x7: {  	_ = 	snop  }
__scs_overlays_trampoline_lowered:
0x8: {  	[smem:$0x3FAC] =	sst s0  }
0x9: {  	[smem:$0x3FAD] =	sst s1  }
0xa: {  	[smem:$0x3FAE] =	sst s2  }
0xb: {  	[smem:$0x3FAF] =	sst s3  }
0xc: {  	[smem:$0x3FB0] =	sst s4  }
0xd: {  	[smem:$0x3FB1] =	sst s5  }
0xe: {  	[smem:$0x3FB2] =	sst s6  }
0xf: {  	[smem:$0x3FB3] =	sst s7  }
0x10: {  	[smem:$0x3FB4] =	sst s8  }
0x11: {  	[smem:$0x3FB5] =	sst s9;
	s0 =	simm.s32 @!p0 $0x0  }
0x12: {  	s1 =	sld [smem:$0x3F9B];
	s0 =	simm.s32 @p0 $0x1  }
0x13: {  	[smem:$0x3FB6] =	sst s0;
	s0 =	simm.s32 @!p1 $0x0  }
0x14: {  	s2 =	sld [smem:$0x3F9A];
	s0 =	simm.s32 @p1 $0x1  }
0x15: {  	[smem:$0x3FB7] =	sst s0;
	s0 =	simm.s32 @!p2 $0x0  }
0x16: {  	s3 =	sld [smem:$0x3FDB];
	s0 =	simm.s32 @p2 $0x1  }
0x17: {  	s4 =	simm.s32 $0x1BF5;
	[smem:$0x3FB9] =	sst s0  }
0x18: {  	s0 =	sld [smem:$0x3F9C];
	_ =	swait.ge [sflag:s4], $0x0  }
0x19: {  	s7 =	sld [smem:$0x3F9D]  }
0x1a: {  	s8 =	sadd.s32 $0xFFFFE003, lr  }
0x1b: {  	s9 =	sadd.s32 $0xFFFFFEF7, lr;
	s5 =	simm.s32 $0xFFFFFFFF;
	p2 =	slt.u32 s8, $0xFFFFF086  }
0x1c: {  	p1 =	slt.u32 s9, $0xF7A;
	s5 =	simm.s32 @!p2 $0x0  }
0x1d: {  	s5 =	simm.s32 @p1 $0x1;
	p0 =	seq.s32 s7, s2  }
0x1e: {  	s7 =	smul.u32 @!p0 $0xF7A, s2;
	p2 =	seq.s32 @!p0 s5, $0x0  }
0x1f: {  	s9 =	smul.u32 $0xF7A, s1;
	s8 =	simm.s32 @!p0 $0x1BF5;
	p2 =	por !p2, p0  }
0x20: {  	[sflag:s8] =	ssyncset.s32 @!p0 $0xFFFFF086;
	s6 =	sadd.s32 @!p0 s3, s7;
	s7 =	simm.s32 @!p0 $0x108  }
0x21: {  	s3 =	sadd.s32 s3, s9;
	s6 =	sadd.s32 @!p0 $0x88, s6;
	s7 =	simm.s32 @p2 $0x1082  }
0x22: {  	[simem:s7], [sflag:s8] =	dma.local @!p0 [hbm:s6], $0xF7A  }
0x23: {  	s9 =	sor.u32 $0xD0000000, s2;
	s6 =	simm.s32 $0x108;
	_ =	swait.ge @!p0 [sflag:s8], $0x0  }
0x24: {  	s3 =	sadd.s32 $0x88, s3;
	s6 =	simm.s32 @!p1 $0x1082;
	[sflag:s4] =	ssyncset.s32 $0xFFFFF086  }
0x25: {  	[simem:s6], [sflag:s4] =	dma.local [hbm:s3], $0xF7A  }
0x26: {  	[smem:$0x3F9D] =	sst s1;
	(tag) =	ssettag s2;
	_ =	strace s9  }
0x27: {  	s1 =	sld [smem:$0x3FAD]  }
0x28: {  	s2 =	sld [smem:$0x3FAE]  }
0x29: {  	s4 =	sld [smem:$0x3FB0]  }
0x2a: {  	p0 =	seq.s32 s5, $0x0;
	s5 =	sld [smem:$0x3FB1]  }
0x2b: {  	s6 =	sld [smem:$0x3FB2]  }
0x2c: {  	s7 =	sld [smem:$0x3FB3]  }
0x2d: {  	s3 =	simm.s32 $0x108;
	s8 =	sld [smem:$0x3FB4]  }
0x2e: {  	s3 =	simm.s32 @!p0 $0x1082;
	s9 =	sld [smem:$0x3FB5]  }
0x2f: {  	lr =	sadd.s32 s0, s3;
	s0 =	sld [smem:$0x3FAC]  }
0x30: {  	s3 =	sld [smem:$0x3FAF]  }
0x31: {  	[smem:$0x3FB8] =	sst s10  }
0x32: {  	s10 =	sld [smem:$0x3FB6];
	_ =	sdelay $0x3  }
0x33: {  	p0 =	seq.s32 s10, $0x1;
	s10 =	sld [smem:$0x3FB8];
	_ =	sdelay $0x3  }
0x34: {  	[smem:$0x3FB8] =	sst s10  }
0x35: {  	s10 =	sld [smem:$0x3FB7];
	_ =	sdelay $0x3  }
0x36: {  	p1 =	seq.s32 s10, $0x1;
	s10 =	sld [smem:$0x3FB8];
	_ =	sdelay $0x3  }
0x37: {  	[smem:$0x3FB8] =	sst s10  }
0x38: {  	s10 =	sld [smem:$0x3FB9]  }
0x39: {  	_ = 	snop;
	(pc) =	sbr.ind lr, $3  }
0x3a: {  	_ = 	snop  }
0x3b: {  	_ = 	snop  }
0x3c: {  	p2 =	seq.s32 s10, $0x1;
	s10 =	sld [smem:$0x3FB8]  }
0x3d: {  	_ =	shalt  }
0x3e: {  	_ =	shalt  }
0x3f: {  	_ =	shalt  }
0x40: {  	_ =	shalt  }
0x41: {  	_ =	shalt  }
0x42: {  	_ =	shalt  }
0x43: {  	_ =	shalt  }
0x44: {  	_ =	shalt  }
0x45: {  	_ =	shalt  }
0x46: {  	_ =	shalt  }
0x47: {  	_ =	shalt  }
0x48: {  	_ =	shalt  }
0x49: {  	_ =	shalt  }
0x4a: {  	_ =	shalt  }
0x4b: {  	_ =	shalt  }
0x4c: {  	_ =	shalt  }
0x4d: {  	_ =	shalt  }
0x4e: {  	_ =	shalt  }
0x4f: {  	_ =	shalt  }
0x50: {  	_ =	shalt  }
0x51: {  	_ =	shalt  }
0x52: {  	_ =	shalt  }
0x53: {  	_ =	shalt  }
0x54: {  	_ =	shalt  }
0x55: {  	_ =	shalt  }
0x56: {  	_ =	shalt  }
0x57: {  	_ =	shalt  }
0x58: {  	_ =	shalt  }
0x59: {  	_ =	shalt  }
0x5a: {  	_ =	shalt  }
0x5b: {  	_ =	shalt  }
0x5c: {  	_ =	shalt  }
0x5d: {  	_ =	shalt  }
0x5e: {  	_ =	shalt  }
0x5f: {  	_ =	shalt  }
0x60: {  	_ =	shalt  }
0x61: {  	_ =	shalt  }
0x62: {  	_ =	shalt  }
0x63: {  	_ =	shalt  }
0x64: {  	_ =	shalt  }
0x65: {  	_ =	shalt  }
0x66: {  	_ =	shalt  }
0x67: {  	_ =	shalt  }
0x68: {  	_ =	shalt  }
0x69: {  	_ =	shalt  }
0x6a: {  	_ =	shalt  }
0x6b: {  	_ =	shalt  }
0x6c: {  	_ =	shalt  }
0x6d: {  	_ =	shalt  }
0x6e: {  	_ =	shalt  }
0x6f: {  	_ =	shalt  }
0x70: {  	_ =	shalt  }
0x71: {  	_ =	shalt  }
0x72: {  	_ =	shalt  }
0x73: {  	_ =	shalt  }
0x74: {  	_ =	shalt  }
0x75: {  	_ =	shalt  }
0x76: {  	_ =	shalt  }
0x77: {  	_ =	shalt  }
0x78: {  	_ =	shalt  }
0x79: {  	_ =	shalt  }
0x7a: {  	_ =	shalt  }
0x7b: {  	_ =	shalt  }
0x7c: {  	_ =	shalt  }
0x7d: {  	_ =	shalt  }
0x7e: {  	_ =	shalt  }
0x7f: {  	_ =	shalt  }
0x80: {  	_ =	shalt  }
0x81: {  	_ =	shalt  }
0x82: {  	_ =	shalt  }
0x83: {  	_ =	shalt  }
0x84: {  	_ =	shalt  }
0x85: {  	_ =	shalt  }
0x86: {  	_ =	shalt  }
0x87: {  	_ =	shalt  }
.Lfunc_end0:
.L_simem_size_0:
called_computation_lowered:
.L_overlay_start_0:
0x88: {  	s2 =	sld [smem:$0x3FD9]  }
0x89: {  	s3 =	sld [smem:$0x3FFE];
	_ =	sdelay $0x1  }
0x8a: {  	s1 =	srdreg.scid  }
0x8b: {  	s0 =	sand.u32 $0x1, s1  }
0x8c: {  	s18 =	sshll.u32 s0, $0xA;
	s2 =	sadd.s32 s3, s2  }
0x8d: {  	s2 =	sadd.s32 s2, s18  }
0x8e: {  	[smem:$0x3FC4] =	sst s2  }
0x8f: {  	_ = 	snop  }
0x90: {  	s2 =	sld [smem:$0x3FC9]  }
0x91: {  	s19 =	sld [smem:$0x3FC8]  }
0x92: {  	s4 =	sld [smem:$0x3FC7]  }
0x93: {  	s5 =	sld [smem:$0x3FC6]  }
0x94: {  	s6 =	sld [smem:$0x3FD0];
	(tm) =	ssettm $0x1  }
0x95: {  	s7 =	sld [smem:$0x3FFB];
	_ =	sdelay $0x3  }
0x96: {  	_ =	strace s7  }
0x97: {  	s7 =	sld [smem:$0x3FFC];
	_ =	sdelay $0x3  }
0x98: {  	_ =	strace s7  }
0x99: {  	s7 =	sld [smem:$0x3FFD];
	_ =	sdelay $0x3  }
0x9a: {  	_ =	strace s7  }
0x9b: {  	_ =	strace $0x8FFFFFFF  }
0x9c: {  	s20 =	sld [smem:$0x3FDB];
	_ =	sdelay $0x1  }
0x9d: {  	s8 =	simm.s32 $_scs_section_size  }
0x9e: {  	s9 =	simm.s32 $_size__tile_overlayer_lowered;
	s10 =	simm.s32 $_tile_overlayer_lowered  }
0x9f: {  	s23 =	simm.s32 $0x1BFF;
	s22 =	sshll.u32 s10, $0x1;
	s7 =	sadd.s32 s8, s20  }
0xa0: {  	s11 =	simm.s32 $0x0;
	s21 =	sshll.u32 s9, $0x1;
	s9 =	sadd.s32 s22, s7  }
0xa1: {  	[timem:s11], [sflag:s23] =	dma.local [hbm:s9], s21  }
0xa2: {  	_ =	swait.ge [sflag:s23], s21  }
0xa3: {  	s8 =	ssub.s32 $0x0, s21;
	[sflag:s23] =	ssyncset.done $0x0  }
0xa4: {  	[sflag:s23] =	ssyncadd.s32 s8;
	_ =	sdelay $0x1  }
0xa5: {  	s24 =	simm.s32 $0x1B8B  }
0xa6: {  	_ =	swait.ge [sflag:s24], $0x1  }
0xa7: {  	[sflag:s24] =	ssyncset.done $0x0  }
0xa8: {  	s25 =	simm.s32 $0x1B8E;
	[sflag:s24] =	ssyncadd.s32 $0xFFFFFFFF  }
0xa9: {  	s26 =	simm.s32 $execute0_lowered;
	[smem:$0x3FD2] =	sst s25  }
0xaa: {  	s8 =	sshll.u32 s26, $0x1;
	_ =	strace $0x80000046;
	[dreg:$0x1] =	wrdreg $0xFFFFFFFF  }
0xab: {  	s28 =	simm.s32 $_size_execute0_lowered;
	s7 =	sadd.s32 s7, s8;
	[dreg:$0x0] =	wrdreg $0x0  }
0xac: {  	s8 =	sshll.u32 s28, $0x1;
	[dreg:$0x2] =	wrdreg s7  }
0xad: {  	[dreg:$0x3] =	wrdreg s8  }
0xae: {  	[dreg:$0x4] =	wrdreg $0xC0  }
0xaf: {  	_ =	task [dreg:s11], $0x5FFFF  }
0xb0: {  	[dreg:$0x1] =	wrdreg $0xFFFFFFFF  }
0xb1: {  	[dreg:$0x0] =	wrdreg $0x60  }
0xb2: {  	[dreg:$0x2] =	wrdreg s2  }
0xb3: {  	[dreg:$0x3] =	wrdreg s19  }
0xb4: {  	[dreg:$0x4] =	wrdreg s4  }
0xb5: {  	[dreg:$0x5] =	wrdreg s5  }
0xb6: {  	[dreg:$0x6] =	wrdreg s6  }
0xb7: {  	[dreg:$0x7] =	wrdreg $0x9  }
0xb8: {  	_ =	task.clear_ibuf [dreg:s11], $0x8FFFF;
	_ =	strace $0x90000046  }
0xb9: {  	s29 =	simm.s32 $0x9;
	_ =	strace $0x80000048  }
0xba: {  	_ =	swait.ge [sflag:s29], $0x1  }
0xbb: {  	[sflag:s29] =	ssyncadd.s32 $0xFFFFFFFF  }
0xbc: {  	_ =	strace $0x90000048  }
0xbd: {  	_ =	sfence  }
0xbe: {  	s30 =	sld [smem:$0x0];
	_ =	sdelay $0x2  }
0xbf: {  	s31 =	sshll.u32 s1, $0xD;
	s1 =	sshrl.u32 s1, $0x2  }
0xc0: {  	s3 =	sand.u32 $0x4000, s31;
	s1 =	sadd.s32 s1, s30  }
0xc1: {  	s0 =	sor.u32 s3, s0;
	s1 =	sshll.u32 s1, $0x11  }
0xc2: {  	s0 =	sor.u32 s1, s0  }
0xc3: {  	s0 =	sadd.s32 $0x8F2B, s0  }
0xc4: {  	[sflag:s0] =	ssyncadd.remote.s32 $0x1  }
0xc5: {  	_ =	sfence.sel $0xFFFF  }
0xc6: {  	[dreg:$0x0] =	wrdreg $0xFFFFFFFF;
	(pc) =	sbr.abs _section_cstart, $3  }
0xc7: {  	[dreg:$0x1] =	wrdreg $0xFFFFFFFF  }
0xc8: {  	_ =	task.clear_ibuf [dreg:s11], $0x2FFFF;
	_ =	strace $0x9FFFFFFF  }
0xc9: {  	(tm) =	ssettm $0x7FFFFFFF  }
tec
execute0_lowered:
.L_overlay_start_1:
0x0: {  	(tag) =	ssettag $0x1  }
0x1: {  	s5 =	rddreg [dreg:$0x0]  }
0x2: {  	s6 =	rddreg [dreg:$0x1]  }
0x3: {  	s1 =	rddreg [dreg:$0x2]  }
0x4: {  	s2 =	rddreg [dreg:$0x3]  }
0x5: {  	s7 =	rddreg [dreg:$0x4]  }
0x6: {  	s3 =	srdreg.scid;
	s0 =	rddreg [dreg:$0x5]  }
0x7: {  	s4 =	simm.s32 $0x0;
	s12 =	simm.s32 $0x400;
	s13 =	simm.s32 $0x6400  }
0x8: {  	v0 =	vlaneseq.u32;
	s14 =	simm.s32 $0x2400;
	s15 =	simm.s32 $0x240;
	s16 =	simm.s32 $0x8400  }
0x9: {  	s17 =	simm.s32 $0xC400;
	s18 =	simm.s32 $0xC680;
	s19 =	simm.s32 $0x0;
	v0 =	vmul.u32 $0x11, v0  }
0xa: {  	s8 =	sand.u32 $0x1, s3;
	[smem:$0x7FF] =	sst s4;
	s3 =	stileid.u32  }
.Ltmp0:
0xb: {  	s9 =	ssub.s32 $0x2, s8;
	s11 =	sshll.u32 s3, $0x7;
	v1 =	vadd.s32 $0x1, v0;
	v2 =	vadd.s32 $0x2, v0;
	v3 =	vadd.s32 $0x3, v0;
	(pc) =	sbr.rel .LBB2_1-.Ltmp0, $4  }
0xc: {  	s8 =	sshll.u32 s8, $0x6;
	_ =	strace $0x80000047;
	s10 =	sshrl.u32 s9, $0x1;
	v4 =	vadd.s32 $0x4, v0;
	v5 =	vadd.s32 $0x5, v0;
	v6 =	vadd.s32 $0x6, v0  }
0xd: {  	s8 =	sor.u32 s8, s11;
	s11 =	simm.s32 $0x40;
	v7 =	vadd.s32 $0x7, v0;
	v8 =	vadd.s32 $0x8, v0;
	v9 =	vadd.s32 $0x9, v0;
	s9 =	ssub.s32 s9, s10  }
0xe: {  	v10 =	vadd.s32 $0xA, v0;
	v11 =	vadd.s32 $0xB, v0;
	v12 =	vadd.s32 $0xC, v0;
	s5 =	sadd.s32 s5, s8;
	s6 =	sadd.s32 s6, s8;
	s7 =	sadd.s32 s7, s8  }
0xf: {  	v13 =	vadd.s32 $0xD, v0;
	v14 =	vadd.s32 $0xE, v0;
	v15 =	vadd.s32 $0xF, v0;
	s10 =	simm.s32 $0x200;
	s8 =	smax.u32 s9, $0x1;
	s9 =	simm.s32 $0x7  }
.LBB2_6:
0x10: {  	s19 =	sadd.s32 $0x1, s19  }
0x11: {  	p0 =	sne.s32 s19, s8  }
.Ltmp1:
0x12: {  	_ = 	snop;
	(pc) =	sbr.rel @!p0 .LBB2_7-.Ltmp1, $4  }
0x13: {  	[hbm4b:s7+s4] =	stream.linear.scatter [tilespmem:s18], [sflag:$0x7], $0x200, $0x38;
	[tilespmem:$0xC880] =	vst v63  }
0x14: {  	_ =	swait.ge [sflag:s9], $0x200  }
0x15: {  	[sflag:s9] =	ssyncset.done $0x0  }
0x16: {  	[sflag:s9] =	ssyncadd.s32 $0xFFFFFE00  }
.LBB2_1:
0x17: {  	[tilespmem:s4], [sflag:$0x7] =	stream.linear.gather [hbm4b:s5+s4], $0x200, $0x38;
	[tilespmem:$0xC880] =	vst v63  }
0x18: {  	_ =	swait.ge [sflag:s9], $0x200  }
0x19: {  	[sflag:s9] =	ssyncset.done $0x0  }
0x1a: {  	[sflag:s9] =	ssyncadd.s32 $0xFFFFFE00  }
0x1b: {  	[tilespmem:s10], [sflag:$0x7] =	stream.linear.gather [hbm4b:s6+s4], $0x200, $0x38;
	[tilespmem:$0xC880] =	vst v63  }
0x1c: {  	_ =	swait.ge [sflag:s9], $0x200  }
0x1d: {  	[sflag:s9] =	ssyncset.done $0x0  }
0x1e: {  	[sflag:s9] =	ssyncadd.s32 $0xFFFFFE00  }
0x1f: {  	[tilespmem:s12], [sflag:$0x1] =	stream.indirect.gather [hbm4b:s1+s11], $0x80, s4, s11, $0xb8;
	[tilespmem:$0xC880] =	vst v63  }
0x20: {  	_ = 	snop  }
0x21: {  	[tilespmem:s13], [sflag:$0x4] =	stream.indirect.gather [hbm4b:s2+s11], $0x80, s10, s11, $0xb8;
	[tilespmem:$0xC880] =	vst v63  }
.Ltmp2:
0x22: {  	_ = 	snop;
	(pc) =	sbr.rel .LBB2_2-.Ltmp2, $4  }
0x23: {  	_ = 	snop  }
0x24: {  	[tilespmem:s14], [sflag:$0x2] =	stream.indirect.gather [hbm4b:s1+s11], $0x80, s11, s11, $0xb8;
	[tilespmem:$0xC880] =	vst v63  }
0x25: {  	s20 =	simm.s32 $0x0;
	s21 =	simm.s32 $0xC680;
	s22 =	simm.s32 $0x0  }
0x26: {  	[tilespmem:s16], [sflag:$0x5] =	stream.indirect.gather [hbm4b:s2+s11], $0x80, s15, s11, $0xb8;
	[tilespmem:$0xC880] =	vst v63  }
.LBB2_4:
0x27: {  	p0 =	sgt.s32 s22, $0x17  }
0x28: {  	p1 =	seq.s32 @p0 s22, $0x18  }
0x29: {  	p2 =	por !p1, !p0  }
0x2a: {  	s23 =	simm.s32 @!p2 $0x1  }
0x2b: {  	_ =	swait.ge @!p2 [sflag:s23], $0x2000  }
0x2c: {  	p3 =	por p1, !p0;
	[sflag:s23] =	ssyncset.done @!p2 $0x0  }
0x2d: {  	p3 =	seq.s32 @!p3 s22, $0x1C;
	[sflag:s23] =	ssyncadd.s32 @!p2 $0xFFFFE000;
	s23 =	simm.s32 @!p2 $0x4  }
0x2e: {  	p1 =	por @p0 !p3, p1;
	_ =	swait.ge @!p2 [sflag:s23], $0x2000  }
0x2f: {  	p3 =	por p1, !p0;
	[sflag:s23] =	ssyncset.done @!p2 $0x0  }
0x30: {  	[sflag:s23] =	ssyncadd.s32 @!p2 $0xFFFFE000;
	s23 =	simm.s32 @!p3 $0x2  }
0x31: {  	_ =	swait.ge @!p3 [sflag:s23], $0x2000  }
0x32: {  	[sflag:s23] =	ssyncset.done @!p3 $0x0  }
0x33: {  	[sflag:s23] =	ssyncadd.s32 @!p3 $0xFFFFE000;
	s23 =	simm.s32 @!p3 $0x5  }
0x34: {  	p1 =	seq.s32 @!p0 s22, $0x10;
	_ =	swait.ge @!p3 [sflag:s23], $0x2000  }
0x35: {  	p2 =	por !p1, p0;
	[sflag:s23] =	ssyncset.done @!p3 $0x0  }
0x36: {  	[sflag:s23] =	ssyncadd.s32 @!p3 $0xFFFFE000;
	s23 =	simm.s32 @!p2 $0x2  }
0x37: {  	_ =	swait.ge @!p2 [sflag:s23], $0x2000  }
0x38: {  	[sflag:s23] =	ssyncset.done @!p2 $0x0  }
0x39: {  	[sflag:s23] =	ssyncadd.s32 @!p2 $0xFFFFE000;
	s23 =	simm.s32 @!p2 $0x5  }
0x3a: {  	_ =	swait.ge @!p2 [sflag:s23], $0x2000  }
0x3b: {  	s24 =	simm.s32 @!p2 $0x180;
	[sflag:s23] =	ssyncset.done @!p2 $0x0  }
0x3c: {  	s25 =	simm.s32 @!p2 $0x400;
	[sflag:s23] =	ssyncadd.s32 @!p2 $0xFFFFE000;
	s23 =	simm.s32 @!p2 $0x40  }
0x3d: {  	[tilespmem:s25], [sflag:$0x1] =	stream.indirect.gather @!p2 [hbm4b:s1+s23], $0x80, s24, s23, $0xb8;
	[tilespmem:$0xC880] =	vst v63  }
0x3e: {  	s24 =	simm.s32 @!p2 $0x380;
	s25 =	simm.s32 @!p2 $0x6400  }
0x3f: {  	[tilespmem:s25], [sflag:$0x4] =	stream.indirect.gather @!p2 [hbm4b:s2+s23], $0x80, s24, s23, $0xb8;
	[tilespmem:$0xC880] =	vst v63  }
0x40: {  	p2 =	por p1, p0  }
0x41: {  	p2 =	seq.s32 @!p2 s22, $0x14  }
0x42: {  	p1 =	por @!p0 !p2, p1  }
0x43: {  	p0 =	por p1, p0  }
0x44: {  	s23 =	simm.s32 @!p0 $0x3  }
0x45: {  	_ =	swait.ge @!p0 [sflag:s23], $0x2000  }
0x46: {  	[sflag:s23] =	ssyncset.done @!p0 $0x0  }
0x47: {  	[sflag:s23] =	ssyncadd.s32 @!p0 $0xFFFFE000;
	s23 =	simm.s32 @!p0 $0x6  }
0x48: {  	_ =	swait.ge @!p0 [sflag:s23], $0x2000  }
0x49: {  	s24 =	simm.s32 @!p0 $0x1C0;
	[sflag:s23] =	ssyncset.done @!p0 $0x0  }
0x4a: {  	s25 =	simm.s32 @!p0 $0x2400;
	[sflag:s23] =	ssyncadd.s32 @!p0 $0xFFFFE000;
	s23 =	simm.s32 @!p0 $0x40  }
0x4b: {  	[tilespmem:s25], [sflag:$0x2] =	stream.indirect.gather @!p0 [hbm4b:s1+s23], $0x80, s24, s23, $0xb8;
	[tilespmem:$0xC880] =	vst v63  }
0x4c: {  	s24 =	simm.s32 @!p0 $0x3C0;
	s25 =	simm.s32 @!p0 $0x8400  }
0x4d: {  	[tilespmem:s25], [sflag:$0x5] =	stream.indirect.gather @!p0 [hbm4b:s2+s23], $0x80, s24, s23, $0xb8;
	[tilespmem:$0xC880] =	vst v63  }
.LBB2_5:
0x4e: {  	s23 =	sshrl.u32 s22, $0x2  }
0x4f: {  	s24 =	smul.u32 $0xAB, s23;
	_ =	sdelay $0x1  }
0x50: {  	s24 =	sshrl.u32 s24, $0x9  }
0x51: {  	s23 =	sadd.s32 s24, s23  }
0x52: {  	s23 =	sshll.u32 s23, $0x6  }
0x53: {  	s30 =	sand.u32 $0x30, s20;
	s23 =	sand.u32 $0xC0, s23  }
0x54: {  	s23 =	sor.u32 s23, s30  }
0x55: {  	s23 =	sshll.u32 s23, $0x7  }
0x56: {  	v16 =	vld [tilespmem:s23+$0x400]  }
0x57: {  	v17 =	vld [tilespmem:s23+$0x6400]  }
0x58: {  	v18 =	vld [tilespmem:s23+$0x480]  }
0x59: {  	v19 =	vld [tilespmem:s23+$0x6480]  }
0x5a: {  	v20 =	vld [tilespmem:s23+$0x500]  }
0x5b: {  	v21 =	vld [tilespmem:s23+$0x6500]  }
0x5c: {  	v22 =	vld [tilespmem:s23+$0x580]  }
0x5d: {  	v23 =	vld [tilespmem:s23+$0x6580]  }
0x5e: {  	v24 =	vld [tilespmem:s23+$0x410]  }
0x5f: {  	v25 =	vld [tilespmem:s23+$0x6410]  }
0x60: {  	v26 =	vld [tilespmem:s23+$0x490]  }
0x61: {  	v27 =	vld [tilespmem:s23+$0x6490]  }
0x62: {  	v28 =	vld [tilespmem:s23+$0x510]  }
0x63: {  	v29 =	vld [tilespmem:s23+$0x6510]  }
0x64: {  	v30 =	vld [tilespmem:s23+$0x590]  }
0x65: {  	v31 =	vld [tilespmem:s23+$0x6590]  }
0x66: {  	v32 =	vld [tilespmem:s23+$0x420]  }
0x67: {  	v33 =	vld [tilespmem:s23+$0x6420]  }
0x68: {  	v34 =	vld [tilespmem:s23+$0x4A0]  }
0x69: {  	v35 =	vld [tilespmem:s23+$0x64A0]  }
0x6a: {  	v36 =	vld [tilespmem:s23+$0x520]  }
0x6b: {  	v37 =	vld [tilespmem:s23+$0x6520]  }
0x6c: {  	v38 =	vld [tilespmem:s23+$0x5A0]  }
0x6d: {  	v39 =	vld [tilespmem:s23+$0x65A0]  }
0x6e: {  	v40 =	vld [tilespmem:s23+$0x430]  }
0x6f: {  	v41 =	vld [tilespmem:s23+$0x6430]  }
0x70: {  	v42 =	vld [tilespmem:s23+$0x4B0]  }
0x71: {  	v43 =	vld [tilespmem:s23+$0x64B0]  }
0x72: {  	v44 =	vld [tilespmem:s23+$0x530]  }
0x73: {  	v45 =	vld [tilespmem:s23+$0x6530]  }
0x74: {  	v46 =	vld [tilespmem:s23+$0x5B0]  }
0x75: {  	v47 =	vld [tilespmem:s23+$0x65B0]  }
0x76: {  	v48 =	vld [tilespmem:s23+$0x440]  }
0x77: {  	v49 =	vld [tilespmem:s23+$0x6440]  }
0x78: {  	v50 =	vld [tilespmem:s23+$0x4C0]  }
0x79: {  	v51 =	vld [tilespmem:s23+$0x64C0]  }
0x7a: {  	v52 =	vld [tilespmem:s23+$0x540]  }
0x7b: {  	v53 =	vld [tilespmem:s23+$0x6540]  }
0x7c: {  	v54 =	vld [tilespmem:s23+$0x5C0]  }
0x7d: {  	v55 =	vld [tilespmem:s23+$0x65C0]  }
0x7e: {  	v56 =	vld [tilespmem:s23+$0x450]  }
0x7f: {  	v57 =	vld [tilespmem:s23+$0x6450]  }
0x80: {  	v58 =	vld [tilespmem:s23+$0x4D0]  }
0x81: {  	v59 =	vld [tilespmem:s23+$0x64D0]  }
0x82: {  	v60 =	vld [tilespmem:s23+$0x550]  }
0x83: {  	v61 =	vld [tilespmem:s23+$0x6550]  }
0x84: {  	v62 =	vld [tilespmem:s23+$0x5D0]  }
0x85: {  	v63 =	vld [tilespmem:s23+$0x65D0];
	v16 =	vmul.f32 v17, v16;
	v18 =	vmul.f32 v19, v18  }
0x86: {  	v17 =	vld [tilespmem:s23+$0x460];
	v19 =	vmul.f32 v21, v20;
	v21 =	vmul.f32 v25, v24  }
0x87: {  	v20 =	vld [tilespmem:s23+$0x6460];
	v24 =	vmul.f32 v27, v26;
	v22 =	vmul.f32 v23, v22  }
0x88: {  	v25 =	vld [tilespmem:s23+$0x4E0];
	v29 =	vmul.f32 v29, v28;
	v33 =	vmul.f32 v33, v32  }
0x89: {  	v26 =	vld [tilespmem:s23+$0x64E0];
	v35 =	vmul.f32 v35, v34;
	v37 =	vmul.f32 v37, v36  }
0x8a: {  	v28 =	vld [tilespmem:s23+$0x6560];
	v38 =	vmul.f32 v39, v38;
	v39 =	vmul.f32 v41, v40  }
0x8b: {  	v40 =	vld [tilespmem:s23+$0x65E0];
	v41 =	vmul.f32 v43, v42;
	v43 =	vmul.f32 v45, v44  }
0x8c: {  	v42 =	vld [tilespmem:s23+$0x470];
	v44 =	vmul.f32 v47, v46;
	v46 =	vmul.f32 v49, v48  }
0x8d: {  	v45 =	vld [tilespmem:s23+$0x6470];
	v47 =	vmul.f32 v51, v50;
	v49 =	vmul.f32 v53, v52;
	v16 =	vadd.f32 v21, v16  }
0x8e: {  	v48 =	vld [tilespmem:s23+$0x4F0];
	v51 =	vmul.f32 v55, v54;
	v18 =	vadd.f32 v24, v18;
	v21 =	vmul.f32 v31, v30  }
0x8f: {  	v50 =	vld [tilespmem:s23+$0x64F0];
	v53 =	vmul.f32 v57, v56;
	v19 =	vadd.f32 v29, v19;
	v16 =	vadd.f32 v33, v16  }
0x90: {  	v52 =	vld [tilespmem:s23+$0x570];
	v54 =	vmul.f32 v59, v58;
	v21 =	vadd.f32 v21, v22;
	v18 =	vadd.f32 v35, v18  }
0x91: {  	v55 =	vld [tilespmem:s23+$0x6570];
	v56 =	vmul.f32 v61, v60;
	v19 =	vadd.f32 v37, v19;
	v16 =	vadd.f32 v39, v16  }
0x92: {  	v57 =	vmul.f32 v63, v62;
	v24 =	vld [tilespmem:s23+$0x560];
	v21 =	vadd.f32 v38, v21;
	v18 =	vadd.f32 v41, v18  }
0x93: {  	v30 =	vld [tilespmem:s23+$0x5E0];
	v17 =	vmul.f32 v20, v17;
	v19 =	vadd.f32 v43, v19;
	v16 =	vadd.f32 v46, v16  }
0x94: {  	v58 =	vld [tilespmem:s23+$0x5F0];
	v60 =	vmul.f32 v26, v25;
	v21 =	vadd.f32 v44, v21;
	v18 =	vadd.f32 v47, v18  }
0x95: {  	v59 =	vld [tilespmem:s23+$0x65F0];
	v61 =	vmul.f32 v45, v42;
	v19 =	vadd.f32 v49, v19;
	v16 =	vadd.f32 v53, v16  }
0x96: {  	v63 =	vmul.f32 v50, v48;
	v21 =	vadd.f32 v51, v21;
	v18 =	vadd.f32 v54, v18  }
0x97: {  	v19 =	vadd.f32 v56, v19;
	v16 =	vadd.f32 v17, v16;
	v17 =	vmul.f32 v28, v24  }
0x98: {  	s31 =	sand.u32 $0x1, s22;
	v62 =	vmul.f32 v40, v30;
	v21 =	vadd.f32 v57, v21;
	v18 =	vadd.f32 v60, v18  }
0x99: {  	p0 =	seq.s32 s31, $0x1;
	s24 =	simm.s32 $0x110;
	v28 =	vmul.f32 v55, v52;
	v17 =	vadd.f32 v17, v19;
	v16 =	vadd.f32 v61, v16  }
0x9a: {  	s24 =	simm.s32 @!p0 $0x0;
	v20 =	vmul.f32 v59, v58;
	v21 =	vadd.f32 v62, v21;
	v18 =	vadd.f32 v63, v18  }
0x9b: {  	v17 =	vadd.f32 v28, v17;
	[tilespmem:s24+$0xC400] =	vst v16  }
0x9c: {  	v16 =	vadd.f32 v20, v21;
	[tilespmem:s24+$0xC411] =	vst v18  }
0x9d: {  	[tilespmem:s24+$0xC422] =	vst v17  }
0x9e: {  	[tilespmem:s24+$0xC433] =	vst v16  }
0x9f: {  	v16 =	vld [tilespmem:s23+$0x600]  }
0xa0: {  	v17 =	vld [tilespmem:s23+$0x6600]  }
0xa1: {  	v18 =	vld [tilespmem:s23+$0x680]  }
0xa2: {  	v19 =	vld [tilespmem:s23+$0x6680]  }
0xa3: {  	v20 =	vld [tilespmem:s23+$0x700]  }
0xa4: {  	v21 =	vld [tilespmem:s23+$0x6700]  }
0xa5: {  	v22 =	vld [tilespmem:s23+$0x780]  }
0xa6: {  	v23 =	vld [tilespmem:s23+$0x6780]  }
0xa7: {  	v24 =	vld [tilespmem:s23+$0x610]  }
0xa8: {  	v25 =	vld [tilespmem:s23+$0x6610]  }
0xa9: {  	v26 =	vld [tilespmem:s23+$0x690]  }
0xaa: {  	v27 =	vld [tilespmem:s23+$0x6690]  }
0xab: {  	v28 =	vld [tilespmem:s23+$0x710]  }
0xac: {  	v29 =	vld [tilespmem:s23+$0x6710]  }
0xad: {  	v30 =	vld [tilespmem:s23+$0x790]  }
0xae: {  	v31 =	vld [tilespmem:s23+$0x6790]  }
0xaf: {  	v32 =	vld [tilespmem:s23+$0x620]  }
0xb0: {  	v33 =	vld [tilespmem:s23+$0x6620]  }
0xb1: {  	v34 =	vld [tilespmem:s23+$0x6A0]  }
0xb2: {  	v35 =	vld [tilespmem:s23+$0x66A0]  }
0xb3: {  	v36 =	vld [tilespmem:s23+$0x720]  }
0xb4: {  	v37 =	vld [tilespmem:s23+$0x6720]  }
0xb5: {  	v38 =	vld [tilespmem:s23+$0x7A0]  }
0xb6: {  	v39 =	vld [tilespmem:s23+$0x67A0]  }
0xb7: {  	v40 =	vld [tilespmem:s23+$0x630]  }
0xb8: {  	v41 =	vld [tilespmem:s23+$0x6630]  }
0xb9: {  	v42 =	vld [tilespmem:s23+$0x6B0]  }
0xba: {  	v43 =	vld [tilespmem:s23+$0x66B0]  }
0xbb: {  	v44 =	vld [tilespmem:s23+$0x730]  }
0xbc: {  	v45 =	vld [tilespmem:s23+$0x6730]  }
0xbd: {  	v46 =	vld [tilespmem:s23+$0x7B0]  }
0xbe: {  	v47 =	vld [tilespmem:s23+$0x67B0]  }
0xbf: {  	v48 =	vld [tilespmem:s23+$0x640]  }
0xc0: {  	v49 =	vld [tilespmem:s23+$0x6640]  }
0xc1: {  	v50 =	vld [tilespmem:s23+$0x6C0]  }
0xc2: {  	v51 =	vld [tilespmem:s23+$0x66C0]  }
0xc3: {  	v52 =	vld [tilespmem:s23+$0x740]  }
0xc4: {  	v53 =	vld [tilespmem:s23+$0x6740]  }
0xc5: {  	v54 =	vld [tilespmem:s23+$0x7C0]  }
0xc6: {  	v55 =	vld [tilespmem:s23+$0x67C0]  }
0xc7: {  	v56 =	vld [tilespmem:s23+$0x650]  }
0xc8: {  	v57 =	vld [tilespmem:s23+$0x6650]  }
0xc9: {  	v58 =	vld [tilespmem:s23+$0x6D0]  }
0xca: {  	v59 =	vld [tilespmem:s23+$0x66D0]  }
0xcb: {  	v60 =	vld [tilespmem:s23+$0x750]  }
0xcc: {  	v61 =	vld [tilespmem:s23+$0x6750]  }
0xcd: {  	v62 =	vld [tilespmem:s23+$0x7D0]  }
0xce: {  	v63 =	vld [tilespmem:s23+$0x67D0];
	v16 =	vmul.f32 v17, v16;
	v18 =	vmul.f32 v19, v18  }
0xcf: {  	v17 =	vld [tilespmem:s23+$0x660];
	v19 =	vmul.f32 v21, v20;
	v21 =	vmul.f32 v25, v24  }
0xd0: {  	v20 =	vld [tilespmem:s23+$0x6660];
	v24 =	vmul.f32 v27, v26;
	v22 =	vmul.f32 v23, v22  }
0xd1: {  	v25 =	vld [tilespmem:s23+$0x6E0];
	v29 =	vmul.f32 v29, v28;
	v33 =	vmul.f32 v33, v32  }
0xd2: {  	v26 =	vld [tilespmem:s23+$0x66E0];
	v35 =	vmul.f32 v35, v34;
	v37 =	vmul.f32 v37, v36  }
0xd3: {  	v28 =	vld [tilespmem:s23+$0x6760];
	v38 =	vmul.f32 v39, v38;
	v39 =	vmul.f32 v41, v40  }
0xd4: {  	v40 =	vld [tilespmem:s23+$0x67E0];
	v41 =	vmul.f32 v43, v42;
	v43 =	vmul.f32 v45, v44  }
0xd5: {  	v42 =	vld [tilespmem:s23+$0x670];
	v44 =	vmul.f32 v47, v46;
	v46 =	vmul.f32 v49, v48  }
0xd6: {  	v45 =	vld [tilespmem:s23+$0x6670];
	v47 =	vmul.f32 v51, v50;
	v49 =	vmul.f32 v53, v52;
	v16 =	vadd.f32 v21, v16  }
0xd7: {  	v48 =	vld [tilespmem:s23+$0x6F0];
	v51 =	vmul.f32 v55, v54;
	v18 =	vadd.f32 v24, v18;
	v21 =	vmul.f32 v31, v30  }
0xd8: {  	v50 =	vld [tilespmem:s23+$0x66F0];
	v53 =	vmul.f32 v57, v56;
	v19 =	vadd.f32 v29, v19;
	v16 =	vadd.f32 v33, v16  }
0xd9: {  	v52 =	vld [tilespmem:s23+$0x770];
	v54 =	vmul.f32 v59, v58;
	v21 =	vadd.f32 v21, v22;
	v18 =	vadd.f32 v35, v18  }
0xda: {  	v55 =	vld [tilespmem:s23+$0x6770];
	v56 =	vmul.f32 v61, v60;
	v19 =	vadd.f32 v37, v19;
	v16 =	vadd.f32 v39, v16  }
0xdb: {  	v57 =	vmul.f32 v63, v62;
	v24 =	vld [tilespmem:s23+$0x760];
	v21 =	vadd.f32 v38, v21;
	v18 =	vadd.f32 v41, v18  }
0xdc: {  	v30 =	vld [tilespmem:s23+$0x7E0];
	v17 =	vmul.f32 v20, v17;
	v19 =	vadd.f32 v43, v19;
	v16 =	vadd.f32 v46, v16  }
0xdd: {  	v58 =	vld [tilespmem:s23+$0x7F0];
	v60 =	vmul.f32 v26, v25;
	v21 =	vadd.f32 v44, v21;
	v18 =	vadd.f32 v47, v18  }
0xde: {  	v59 =	vld [tilespmem:s23+$0x67F0];
	v61 =	vmul.f32 v45, v42;
	v19 =	vadd.f32 v49, v19;
	v16 =	vadd.f32 v53, v16  }
0xdf: {  	v63 =	vmul.f32 v50, v48;
	v21 =	vadd.f32 v51, v21;
	v18 =	vadd.f32 v54, v18  }
0xe0: {  	v19 =	vadd.f32 v56, v19;
	v16 =	vadd.f32 v17, v16;
	v17 =	vmul.f32 v28, v24  }
0xe1: {  	v62 =	vmul.f32 v40, v30;
	v21 =	vadd.f32 v57, v21;
	v18 =	vadd.f32 v60, v18  }
0xe2: {  	v28 =	vmul.f32 v55, v52;
	v17 =	vadd.f32 v17, v19;
	v16 =	vadd.f32 v61, v16  }
0xe3: {  	v20 =	vmul.f32 v59, v58;
	v21 =	vadd.f32 v62, v21;
	v18 =	vadd.f32 v63, v18  }
0xe4: {  	v17 =	vadd.f32 v28, v17;
	[tilespmem:s24+$0xC444] =	vst v16  }
0xe5: {  	v16 =	vadd.f32 v20, v21;
	[tilespmem:s24+$0xC455] =	vst v18  }
0xe6: {  	[tilespmem:s24+$0xC466] =	vst v17  }
0xe7: {  	[tilespmem:s24+$0xC477] =	vst v16  }
0xe8: {  	v16 =	vld [tilespmem:s23+$0x800]  }
0xe9: {  	v17 =	vld [tilespmem:s23+$0x6800]  }
0xea: {  	v18 =	vld [tilespmem:s23+$0x880]  }
0xeb: {  	v19 =	vld [tilespmem:s23+$0x6880]  }
0xec: {  	v20 =	vld [tilespmem:s23+$0x900]  }
0xed: {  	v21 =	vld [tilespmem:s23+$0x6900]  }
0xee: {  	v22 =	vld [tilespmem:s23+$0x980]  }
0xef: {  	v23 =	vld [tilespmem:s23+$0x6980]  }
0xf0: {  	v24 =	vld [tilespmem:s23+$0x810]  }
0xf1: {  	v25 =	vld [tilespmem:s23+$0x6810]  }
0xf2: {  	v26 =	vld [tilespmem:s23+$0x890]  }
0xf3: {  	v27 =	vld [tilespmem:s23+$0x6890]  }
0xf4: {  	v28 =	vld [tilespmem:s23+$0x910]  }
0xf5: {  	v29 =	vld [tilespmem:s23+$0x6910]  }
0xf6: {  	v30 =	vld [tilespmem:s23+$0x990]  }
0xf7: {  	v31 =	vld [tilespmem:s23+$0x6990]  }
0xf8: {  	v32 =	vld [tilespmem:s23+$0x820]  }
0xf9: {  	v33 =	vld [tilespmem:s23+$0x6820]  }
0xfa: {  	v34 =	vld [tilespmem:s23+$0x8A0]  }
0xfb: {  	v35 =	vld [tilespmem:s23+$0x68A0]  }
0xfc: {  	v36 =	vld [tilespmem:s23+$0x920]  }
0xfd: {  	v37 =	vld [tilespmem:s23+$0x6920]  }
0xfe: {  	v38 =	vld [tilespmem:s23+$0x9A0]  }
0xff: {  	v39 =	vld [tilespmem:s23+$0x69A0]  }
0x100: {  	v40 =	vld [tilespmem:s23+$0x830]  }
0x101: {  	v41 =	vld [tilespmem:s23+$0x6830]  }
0x102: {  	v42 =	vld [tilespmem:s23+$0x8B0]  }
0x103: {  	v43 =	vld [tilespmem:s23+$0x68B0]  }
0x104: {  	v44 =	vld [tilespmem:s23+$0x930]  }
0x105: {  	v45 =	vld [tilespmem:s23+$0x6930]  }
0x106: {  	v46 =	vld [tilespmem:s23+$0x9B0]  }
0x107: {  	v47 =	vld [tilespmem:s23+$0x69B0]  }
0x108: {  	v48 =	vld [tilespmem:s23+$0x840]  }
0x109: {  	v49 =	vld [tilespmem:s23+$0x6840]  }
0x10a: {  	v50 =	vld [tilespmem:s23+$0x8C0]  }
0x10b: {  	v51 =	vld [tilespmem:s23+$0x68C0]  }
0x10c: {  	v52 =	vld [tilespmem:s23+$0x940]  }
0x10d: {  	v53 =	vld [tilespmem:s23+$0x6940]  }
0x10e: {  	v54 =	vld [tilespmem:s23+$0x9C0]  }
0x10f: {  	v55 =	vld [tilespmem:s23+$0x69C0]  }
0x110: {  	v56 =	vld [tilespmem:s23+$0x850]  }
0x111: {  	v57 =	vld [tilespmem:s23+$0x6850]  }
0x112: {  	v58 =	vld [tilespmem:s23+$0x8D0]  }
0x113: {  	v59 =	vld [tilespmem:s23+$0x68D0]  }
0x114: {  	v60 =	vld [tilespmem:s23+$0x950]  }
0x115: {  	v61 =	vld [tilespmem:s23+$0x6950]  }
0x116: {  	v62 =	vld [tilespmem:s23+$0x9D0]  }
0x117: {  	v63 =	vld [tilespmem:s23+$0x69D0];
	v16 =	vmul.f32 v17, v16;
	v18 =	vmul.f32 v19, v18  }
0x118: {  	v17 =	vld [tilespmem:s23+$0x860];
	v19 =	vmul.f32 v21, v20;
	v21 =	vmul.f32 v25, v24  }
0x119: {  	v20 =	vld [tilespmem:s23+$0x6860];
	v24 =	vmul.f32 v27, v26;
	v22 =	vmul.f32 v23, v22  }
0x11a: {  	v25 =	vld [tilespmem:s23+$0x8E0];
	v29 =	vmul.f32 v29, v28;
	v33 =	vmul.f32 v33, v32  }
0x11b: {  	v26 =	vld [tilespmem:s23+$0x68E0];
	v35 =	vmul.f32 v35, v34;
	v37 =	vmul.f32 v37, v36  }
0x11c: {  	v28 =	vld [tilespmem:s23+$0x6960];
	v39 =	vmul.f32 v39, v38;
	v40 =	vmul.f32 v41, v40  }
0x11d: {  	v41 =	vld [tilespmem:s23+$0x69E0];
	v42 =	vmul.f32 v43, v42;
	v45 =	vmul.f32 v45, v44  }
0x11e: {  	v43 =	vld [tilespmem:s23+$0x870];
	v46 =	vmul.f32 v47, v46;
	v49 =	vmul.f32 v49, v48  }
0x11f: {  	v47 =	vld [tilespmem:s23+$0x6870];
	v50 =	vmul.f32 v51, v50;
	v52 =	vmul.f32 v53, v52;
	v16 =	vadd.f32 v21, v16  }
0x120: {  	v51 =	vld [tilespmem:s23+$0x8F0];
	v54 =	vmul.f32 v55, v54;
	v18 =	vadd.f32 v24, v18;
	v21 =	vmul.f32 v31, v30  }
0x121: {  	v53 =	vld [tilespmem:s23+$0x68F0];
	v57 =	vmul.f32 v57, v56;
	v19 =	vadd.f32 v29, v19;
	v16 =	vadd.f32 v33, v16  }
0x122: {  	v55 =	vld [tilespmem:s23+$0x970];
	v58 =	vmul.f32 v59, v58;
	v21 =	vadd.f32 v21, v22;
	v18 =	vadd.f32 v35, v18  }
0x123: {  	v59 =	vld [tilespmem:s23+$0x6970];
	v60 =	vmul.f32 v61, v60;
	v19 =	vadd.f32 v37, v19;
	v16 =	vadd.f32 v40, v16  }
0x124: {  	v61 =	vmul.f32 v63, v62;
	v24 =	vld [tilespmem:s23+$0x960];
	v21 =	vadd.f32 v39, v21;
	v18 =	vadd.f32 v42, v18  }
0x125: {  	v30 =	vld [tilespmem:s23+$0x9E0];
	v17 =	vmul.f32 v20, v17;
	v19 =	vadd.f32 v45, v19;
	v16 =	vadd.f32 v49, v16  }
0x126: {  	v62 =	vld [tilespmem:s23+$0x9F0];
	v26 =	vmul.f32 v26, v25;
	v21 =	vadd.f32 v46, v21;
	v18 =	vadd.f32 v50, v18  }
0x127: {  	v63 =	vld [tilespmem:s23+$0x69F0];
	v29 =	vmul.f32 v47, v43;
	v19 =	vadd.f32 v52, v19;
	v16 =	vadd.f32 v57, v16  }
0x128: {  	v31 =	vmul.f32 v53, v51;
	v21 =	vadd.f32 v54, v21;
	v18 =	vadd.f32 v58, v18  }
0x129: {  	v19 =	vadd.f32 v60, v19;
	v16 =	vadd.f32 v17, v16;
	v17 =	vmul.f32 v28, v24  }
0x12a: {  	v30 =	vmul.f32 v41, v30;
	v21 =	vadd.f32 v61, v21;
	v18 =	vadd.f32 v26, v18  }
0x12b: {  	v32 =	vmul.f32 v59, v55;
	v17 =	vadd.f32 v17, v19;
	v16 =	vadd.f32 v29, v16  }
0x12c: {  	v20 =	vmul.f32 v63, v62;
	v21 =	vadd.f32 v30, v21;
	v18 =	vadd.f32 v31, v18  }
0x12d: {  	v17 =	vadd.f32 v32, v17;
	[tilespmem:s24+$0xC488] =	vst v16  }
0x12e: {  	v16 =	vadd.f32 v20, v21;
	[tilespmem:s24+$0xC499] =	vst v18  }
0x12f: {  	[tilespmem:s24+$0xC4AA] =	vst v17  }
0x130: {  	[tilespmem:s24+$0xC4BB] =	vst v16  }
0x131: {  	v16 =	vld [tilespmem:s23+$0xA00]  }
0x132: {  	v17 =	vld [tilespmem:s23+$0x6A00]  }
0x133: {  	v18 =	vld [tilespmem:s23+$0xA80]  }
0x134: {  	v19 =	vld [tilespmem:s23+$0x6A80]  }
0x135: {  	v20 =	vld [tilespmem:s23+$0xB00]  }
0x136: {  	v21 =	vld [tilespmem:s23+$0x6B00]  }
0x137: {  	v22 =	vld [tilespmem:s23+$0xB80]  }
0x138: {  	v23 =	vld [tilespmem:s23+$0x6B80]  }
0x139: {  	v24 =	vld [tilespmem:s23+$0xA10]  }
0x13a: {  	v25 =	vld [tilespmem:s23+$0x6A10]  }
0x13b: {  	v26 =	vld [tilespmem:s23+$0xA90]  }
0x13c: {  	v27 =	vld [tilespmem:s23+$0x6A90]  }
0x13d: {  	v28 =	vld [tilespmem:s23+$0xB10]  }
0x13e: {  	v29 =	vld [tilespmem:s23+$0x6B10]  }
0x13f: {  	v30 =	vld [tilespmem:s23+$0xB90]  }
0x140: {  	v31 =	vld [tilespmem:s23+$0x6B90]  }
0x141: {  	v32 =	vld [tilespmem:s23+$0xA20]  }
0x142: {  	v33 =	vld [tilespmem:s23+$0x6A20]  }
0x143: {  	v34 =	vld [tilespmem:s23+$0xAA0]  }
0x144: {  	v35 =	vld [tilespmem:s23+$0x6AA0]  }
0x145: {  	v36 =	vld [tilespmem:s23+$0xB20]  }
0x146: {  	v37 =	vld [tilespmem:s23+$0x6B20]  }
0x147: {  	v38 =	vld [tilespmem:s23+$0xBA0]  }
0x148: {  	v39 =	vld [tilespmem:s23+$0x6BA0]  }
0x149: {  	v40 =	vld [tilespmem:s23+$0xA30]  }
0x14a: {  	v41 =	vld [tilespmem:s23+$0x6A30]  }
0x14b: {  	v42 =	vld [tilespmem:s23+$0xAB0]  }
0x14c: {  	v43 =	vld [tilespmem:s23+$0x6AB0]  }
0x14d: {  	v44 =	vld [tilespmem:s23+$0xB30]  }
0x14e: {  	v45 =	vld [tilespmem:s23+$0x6B30]  }
0x14f: {  	v46 =	vld [tilespmem:s23+$0xBB0]  }
0x150: {  	v47 =	vld [tilespmem:s23+$0x6BB0]  }
0x151: {  	v48 =	vld [tilespmem:s23+$0xA40]  }
0x152: {  	v49 =	vld [tilespmem:s23+$0x6A40]  }
0x153: {  	v50 =	vld [tilespmem:s23+$0xAC0]  }
0x154: {  	v51 =	vld [tilespmem:s23+$0x6AC0]  }
0x155: {  	v52 =	vld [tilespmem:s23+$0xB40]  }
0x156: {  	v53 =	vld [tilespmem:s23+$0x6B40]  }
0x157: {  	v54 =	vld [tilespmem:s23+$0xBC0]  }
0x158: {  	v55 =	vld [tilespmem:s23+$0x6BC0]  }
0x159: {  	v56 =	vld [tilespmem:s23+$0xA50]  }
0x15a: {  	v57 =	vld [tilespmem:s23+$0x6A50]  }
0x15b: {  	v58 =	vld [tilespmem:s23+$0xAD0]  }
0x15c: {  	v59 =	vld [tilespmem:s23+$0x6AD0]  }
0x15d: {  	v60 =	vld [tilespmem:s23+$0xB50]  }
0x15e: {  	v61 =	vld [tilespmem:s23+$0x6B50]  }
0x15f: {  	v62 =	vld [tilespmem:s23+$0xBD0]  }
0x160: {  	v63 =	vld [tilespmem:s23+$0x6BD0];
	v16 =	vmul.f32 v17, v16;
	v18 =	vmul.f32 v19, v18  }
0x161: {  	v17 =	vld [tilespmem:s23+$0xA60];
	v19 =	vmul.f32 v25, v24;
	v20 =	vmul.f32 v21, v20  }
0x162: {  	v24 =	vld [tilespmem:s23+$0x6A60];
	v21 =	vmul.f32 v27, v26;
	v22 =	vmul.f32 v23, v22  }
0x163: {  	v25 =	vld [tilespmem:s23+$0xAE0];
	v33 =	vmul.f32 v33, v32;
	v35 =	vmul.f32 v35, v34  }
0x164: {  	v23 =	vld [tilespmem:s23+$0x6AE0];
	v37 =	vmul.f32 v37, v36;
	v39 =	vmul.f32 v39, v38  }
0x165: {  	v27 =	vld [tilespmem:s23+$0xB60];
	v40 =	vmul.f32 v41, v40;
	v43 =	vmul.f32 v43, v42  }
0x166: {  	v26 =	vld [tilespmem:s23+$0xBE0];
	v44 =	vmul.f32 v45, v44;
	v47 =	vmul.f32 v47, v46  }
0x167: {  	v41 =	vld [tilespmem:s23+$0x6BE0];
	v48 =	vmul.f32 v49, v48;
	v16 =	vadd.f32 v19, v16;
	v19 =	vmul.f32 v29, v28  }
0x168: {  	v45 =	vld [tilespmem:s23+$0xA70];
	v50 =	vmul.f32 v51, v50;
	v18 =	vadd.f32 v21, v18;
	v21 =	vmul.f32 v31, v30  }
0x169: {  	v49 =	vld [tilespmem:s23+$0x6A70];
	v52 =	vmul.f32 v53, v52;
	v55 =	vmul.f32 v55, v54;
	v19 =	vadd.f32 v19, v20  }
0x16a: {  	v56 =	vmul.f32 v57, v56;
	v57 =	vld [tilespmem:s23+$0xB70];
	v21 =	vadd.f32 v21, v22;
	v16 =	vadd.f32 v33, v16  }
0x16b: {  	v60 =	vmul.f32 v61, v60;
	v61 =	vld [tilespmem:s23+$0x6B70];
	v18 =	vadd.f32 v35, v18;
	v19 =	vadd.f32 v37, v19  }
0x16c: {  	v51 =	vld [tilespmem:s23+$0xAF0];
	v59 =	vmul.f32 v59, v58;
	v21 =	vadd.f32 v39, v21;
	v16 =	vadd.f32 v40, v16  }
0x16d: {  	v62 =	vmul.f32 v63, v62;
	v29 =	vld [tilespmem:s23+$0x6B60];
	v18 =	vadd.f32 v43, v18;
	v19 =	vadd.f32 v44, v19  }
0x16e: {  	v53 =	vld [tilespmem:s23+$0x6AF0];
	v17 =	vmul.f32 v24, v17;
	v20 =	vadd.f32 v47, v21;
	v16 =	vadd.f32 v48, v16  }
0x16f: {  	v63 =	vld [tilespmem:s23+$0xBF0];
	v38 =	vmul.f32 v23, v25;
	v18 =	vadd.f32 v50, v18;
	v19 =	vadd.f32 v52, v19  }
0x170: {  	v36 =	vld [tilespmem:s23+$0x6BF0];
	v42 =	vmul.f32 v61, v57;
	v20 =	vadd.f32 v55, v20;
	v16 =	vadd.f32 v56, v16  }
0x171: {  	v40 =	vmul.f32 v49, v45;
	v18 =	vadd.f32 v59, v18;
	v19 =	vadd.f32 v60, v19  }
0x172: {  	v39 =	vmul.f32 v29, v27;
	v20 =	vadd.f32 v62, v20;
	v16 =	vadd.f32 v17, v16  }
0x173: {  	v17 =	vmul.f32 v41, v26;
	v18 =	vadd.f32 v38, v18;
	v41 =	vmul.f32 v53, v51  }
0x174: {  	v43 =	vadd.s32 s24, v0;
	v19 =	vadd.f32 v39, v19;
	v16 =	vadd.f32 v40, v16  }
0x175: {  	v21 =	vmul.f32 v36, v63;
	v17 =	vadd.f32 v17, v20;
	v18 =	vadd.f32 v41, v18  }
0x176: {  	v44 =	vadd.s32 s24, v2;
	v19 =	vadd.f32 v42, v19;
	[tilespmem:s24+$0xC4CC] =	vst v16  }
0x177: {  	v45 =	vadd.s32 s24, v3;
	v17 =	vadd.f32 v21, v17;
	[tilespmem:s24+$0xC4DD] =	vst v18  }
0x178: {  	v16 =	vadd.s32 s24, v1;
	[tilespmem:s24+$0xC4EE] =	vst v19  }
0x179: {  	v47 =	vadd.s32 s24, v5;
	[tilespmem:s24+$0xC4FF] =	vst v17  }
0x17a: {  	v17 =	vadd.s32 s24, v4;
	v46 =	vld.idx.msk [tilespmem:v43+s17+$0x0], $0xffff  }
0x17b: {  	v48 =	vadd.s32 s24, v6;
	v18 =	vld.idx.msk [tilespmem:v44+s17+$0x0], $0xffff  }
0x17c: {  	v49 =	vadd.s32 s24, v7;
	v19 =	vld.idx.msk [tilespmem:v45+s17+$0x0], $0xffff  }
0x17d: {  	v50 =	vadd.s32 s24, v8;
	v16 =	vld.idx.msk [tilespmem:v16+s17+$0x0], $0xffff  }
0x17e: {  	v51 =	vadd.s32 s24, v9;
	v21 =	vld.idx.msk [tilespmem:v47+s17+$0x0], $0xffff  }
0x17f: {  	v52 =	vadd.s32 s24, v10;
	v17 =	vld.idx.msk [tilespmem:v17+s17+$0x0], $0xffff  }
0x180: {  	v53 =	vadd.s32 s24, v11;
	v22 =	vld.idx.msk [tilespmem:v48+s17+$0x0], $0xffff  }
0x181: {  	v54 =	vadd.s32 s24, v12;
	v23 =	vld.idx.msk [tilespmem:v49+s17+$0x0], $0xffff  }
0x182: {  	v56 =	vadd.s32 s24, v13;
	v55 =	vld.idx.msk [tilespmem:v50+s17+$0x0], $0xffff;
	v18 =	vadd.f32 v18, v46;
	v16 =	vadd.f32 v19, v16  }
0x183: {  	v58 =	vadd.s32 s24, v14;
	v57 =	vld.idx.msk [tilespmem:v51+s17+$0x0], $0xffff  }
0x184: {  	v60 =	vadd.s32 s24, v15;
	v59 =	vld.idx.msk [tilespmem:v52+s17+$0x0], $0xffff;
	v17 =	vadd.f32 v17, v18;
	v16 =	vadd.f32 v21, v16  }
0x185: {  	v61 =	vld.idx.msk [tilespmem:v53+s17+$0x0], $0xffff  }
0x186: {  	v62 =	vld.idx.msk [tilespmem:v54+s17+$0x0], $0xffff;
	v17 =	vadd.f32 v22, v17;
	v16 =	vadd.f32 v23, v16  }
0x187: {  	v20 =	vld.idx.msk [tilespmem:v56+s17+$0x0], $0xffff  }
0x188: {  	v63 =	vld.idx.msk [tilespmem:v58+s17+$0x0], $0xffff;
	v17 =	vadd.f32 v55, v17;
	v16 =	vadd.f32 v57, v16  }
0x189: {  	v21 =	vld.idx.msk [tilespmem:v60+s17+$0x0], $0xffff  }
0x18a: {  	v17 =	vadd.f32 v59, v17;
	v16 =	vadd.f32 v61, v16;
	_ =	sdelay $0x1  }
0x18b: {  	s22 =	sadd.s32 $0x1, s22;
	v17 =	vadd.f32 v62, v17;
	v16 =	vadd.f32 v20, v16  }
0x18c: {  	p0 =	sne.s32 s22, $0x20  }
.Ltmp3:
0x18d: {  	v17 =	vadd.f32 v63, v17;
	v16 =	vadd.f32 v21, v16;
	(pc) =	sbr.rel @!p0 .LBB2_6-.Ltmp3, $3  }
0x18e: {  	_ = 	snop  }
0x18f: {  	v16 =	vadd.f32 v16, v17;
	_ =	sdelay $0x1  }
0x190: {  	s20 =	sadd.s32 $0x10, s20;
	[tilespmem:s21+$0x0] =	vst v16;
	s21 =	sadd.s32 $0x10, s21  }
.LBB2_2:
0x191: {  	p0 =	sgt.s32 s22, $0xF  }
.Ltmp4:
0x192: {  	_ = 	snop;
	(pc) =	sbr.rel @p0 .LBB2_4-.Ltmp4, $1  }
0x193: {  	_ =	sdelay $0x3  }
0x194: {  	p0 =	sgt.s32 s22, $0x7  }
0x195: {  	p1 =	seq.s32 @p0 s22, $0x8  }
0x196: {  	p2 =	por !p1, !p0  }
0x197: {  	s23 =	simm.s32 @!p2 $0x3  }
0x198: {  	_ =	swait.ge @!p2 [sflag:s23], $0x2000  }
0x199: {  	[sflag:s23] =	ssyncset.done @!p2 $0x0  }
0x19a: {  	[sflag:s23] =	ssyncadd.s32 @!p2 $0xFFFFE000;
	s23 =	simm.s32 @!p2 $0x6  }
0x19b: {  	_ =	swait.ge @!p2 [sflag:s23], $0x2000  }
0x19c: {  	s24 =	simm.s32 @!p2 $0x100;
	[sflag:s23] =	ssyncset.done @!p2 $0x0  }
0x19d: {  	s25 =	simm.s32 @!p2 $0x2400;
	[sflag:s23] =	ssyncadd.s32 @!p2 $0xFFFFE000;
	s23 =	simm.s32 @!p2 $0x40  }
0x19e: {  	[tilespmem:s25], [sflag:$0x2] =	stream.indirect.gather @!p2 [hbm4b:s1+s23], $0x80, s24, s23, $0xb8;
	[tilespmem:$0xC880] =	vst v63  }
0x19f: {  	s24 =	simm.s32 @!p2 $0x300;
	s25 =	simm.s32 @!p2 $0x8400  }
0x1a0: {  	[tilespmem:s25], [sflag:$0x5] =	stream.indirect.gather @!p2 [hbm4b:s2+s23], $0x80, s24, s23, $0xb8;
	[tilespmem:$0xC880] =	vst v63  }
0x1a1: {  	p2 =	por p1, !p0  }
0x1a2: {  	p2 =	seq.s32 @!p2 s22, $0xC  }
0x1a3: {  	p1 =	por @p0 !p2, p1  }
0x1a4: {  	p1 =	por p1, !p0  }
0x1a5: {  	s23 =	simm.s32 @!p1 $0x1  }
0x1a6: {  	_ =	swait.ge @!p1 [sflag:s23], $0x2000  }
0x1a7: {  	[sflag:s23] =	ssyncset.done @!p1 $0x0  }
0x1a8: {  	[sflag:s23] =	ssyncadd.s32 @!p1 $0xFFFFE000;
	s23 =	simm.s32 @!p1 $0x4  }
0x1a9: {  	_ =	swait.ge @!p1 [sflag:s23], $0x2000  }
0x1aa: {  	s24 =	simm.s32 @!p1 $0x140;
	[sflag:s23] =	ssyncset.done @!p1 $0x0  }
0x1ab: {  	s25 =	simm.s32 @!p1 $0x4400;
	[sflag:s23] =	ssyncadd.s32 @!p1 $0xFFFFE000;
	s23 =	simm.s32 @!p1 $0x40  }
0x1ac: {  	[tilespmem:s25], [sflag:$0x3] =	stream.indirect.gather @!p1 [hbm4b:s1+s23], $0x80, s24, s23, $0xb8;
	[tilespmem:$0xC880] =	vst v63  }
0x1ad: {  	s24 =	simm.s32 @!p1 $0x340;
	s25 =	simm.s32 @!p1 $0xA400  }
0x1ae: {  	[tilespmem:s25], [sflag:$0x6] =	stream.indirect.gather @!p1 [hbm4b:s2+s23], $0x80, s24, s23, $0xb8;
	[tilespmem:$0xC880] =	vst v63  }
0x1af: {  	p1 =	seq.s32 @!p0 s22, $0x0  }
0x1b0: {  	p2 =	por !p1, p0  }
0x1b1: {  	s23 =	simm.s32 @!p2 $0x1  }
0x1b2: {  	_ =	swait.ge @!p2 [sflag:s23], $0x2000  }
0x1b3: {  	[sflag:s23] =	ssyncset.done @!p2 $0x0  }
0x1b4: {  	[sflag:s23] =	ssyncadd.s32 @!p2 $0xFFFFE000;
	s23 =	simm.s32 @!p2 $0x4  }
0x1b5: {  	_ =	swait.ge @!p2 [sflag:s23], $0x2000  }
0x1b6: {  	s24 =	simm.s32 @!p2 $0x80;
	[sflag:s23] =	ssyncset.done @!p2 $0x0  }
0x1b7: {  	s25 =	simm.s32 @!p2 $0x4400;
	[sflag:s23] =	ssyncadd.s32 @!p2 $0xFFFFE000;
	s23 =	simm.s32 @!p2 $0x40  }
0x1b8: {  	[tilespmem:s25], [sflag:$0x3] =	stream.indirect.gather @!p2 [hbm4b:s1+s23], $0x80, s24, s23, $0xb8;
	[tilespmem:$0xC880] =	vst v63  }
0x1b9: {  	s24 =	simm.s32 @!p2 $0x280;
	s25 =	simm.s32 @!p2 $0xA400  }
0x1ba: {  	[tilespmem:s25], [sflag:$0x6] =	stream.indirect.gather @!p2 [hbm4b:s2+s23], $0x80, s24, s23, $0xb8;
	[tilespmem:$0xC880] =	vst v63  }
0x1bb: {  	p2 =	por p1, p0  }
0x1bc: {  	p2 =	seq.s32 @!p2 s22, $0x4  }
0x1bd: {  	p1 =	por @!p0 !p2, p1  }
0x1be: {  	p0 =	por p1, p0  }
0x1bf: {  	s23 =	simm.s32 @!p0 $0x2  }
0x1c0: {  	_ =	swait.ge @!p0 [sflag:s23], $0x2000  }
0x1c1: {  	[sflag:s23] =	ssyncset.done @!p0 $0x0  }
0x1c2: {  	[sflag:s23] =	ssyncadd.s32 @!p0 $0xFFFFE000;
	s23 =	simm.s32 @!p0 $0x5  }
0x1c3: {  	_ =	swait.ge @!p0 [sflag:s23], $0x2000  }
.Ltmp5:
0x1c4: {  	s24 =	simm.s32 @!p0 $0xC0;
	[sflag:s23] =	ssyncset.done @!p0 $0x0;
	(pc) =	sbr.rel .LBB2_5-.Ltmp5, $4  }
0x1c5: {  	s25 =	simm.s32 @!p0 $0x400;
	[sflag:s23] =	ssyncadd.s32 @!p0 $0xFFFFE000;
	s23 =	simm.s32 @!p0 $0x40  }
0x1c6: {  	[tilespmem:s25], [sflag:$0x1] =	stream.indirect.gather @!p0 [hbm4b:s1+s23], $0x80, s24, s23, $0xb8;
	[tilespmem:$0xC880] =	vst v63  }
0x1c7: {  	s24 =	simm.s32 @!p0 $0x2C0;
	s25 =	simm.s32 @!p0 $0x6400  }
0x1c8: {  	[tilespmem:s25], [sflag:$0x4] =	stream.indirect.gather @!p0 [hbm4b:s2+s23], $0x80, s24, s23, $0xb8;
	[tilespmem:$0xC880] =	vst v63  }
.LBB2_7:
0x1c9: {  	_ =	sfence.sel $0x180000  }
0x1ca: {  	[bflag:$0x0] =	sbarrier.arrive $0xFFFF  }
0x1cb: {  	p0 =	sne.s32 s3, $0x0;
	_ =	strace $0x90000047  }
0x1cc: {  	s0 =	sadd.s32 @!p0 $0x100000, s0;
	[bflag:$0x2] =	sbarrier.arrive $0xFFFF  }
0x1cd: {  	[sflag:s0] =	ssyncadd.tile.s32 @!p0 $0x1;
	_ =	shalt  }
.Lfunc_end2:
_tile_overlayer_lowered:
.L_overlay_start_2:
0x1ce: {  	(tag) =	ssettag $0x2  }
0x1cf: {  	s0 =	rddreg [dreg:$0x0];
	s2 =	stileid.u32  }
0x1d0: {  	s1 =	rddreg [dreg:$0x1];
	p0 =	sne.s32 s2, $0x0  }
0x1d1: {  	s3 =	rddreg [dreg:$0x2];
	[bflag:$0x3] =	sbarrier.arrive $0xFFFF;
	s2 =	simm.s32 @!p0 $0x1C07  }
0x1d2: {  	[timem:s3], [sflag:s2] =	dma.local @!p0 [hbm:s0], s1  }
0x1d3: {  	s0 =	simm.s32 @!p0 $0x7  }
0x1d4: {  	_ =	swait.ge @!p0 [sflag:s0], s1  }
0x1d5: {  	s1 =	ssub.s32 @!p0 $0x0, s1;
	[sflag:s0] =	ssyncset.done @!p0 $0x0  }
0x1d6: {  	[sflag:s0] =	ssyncadd.s32 @!p0 s1  }
0x1d7: {  	[bflag:$0x3] =	sbarrier.arrive $0xFFFF  }
0x1d8: {  	_ =	shalt  }

</sc_bundles>
